<compile_context>
chip_gen: v7x
topology: tpu7x:2x2x1
jax: 0.10.2.dev20260603
libtpu: 0.0.44.dev20260713+nightly
codegen_flags: <defaults>
</compile_context>

<pallas_src>
import functools

import jax
import jax.numpy as jnp
from jax import lax
from jax.experimental import pallas as pl
from jax.experimental.pallas import tpu as pltpu
from jax.experimental.pallas import tpu_sc as plsc

BATCH = 4096
HIST = 200
EMBED = 128
NUM_EDGE_TYPE = 64
N_ROWS = BATCH * HIST
NUM_WORKERS = 32
ROWS_PER_W = N_ROWS // NUM_WORKERS
CHUNK = 128
N_CHUNKS = ROWS_PER_W // CHUNK
NBUF = 5
SHIP = 2

_mesh = plsc.VectorSubcoreMesh(core_axis_name="c", subcore_axis_name="s")


@functools.partial(
    pl.kernel,
    mesh=_mesh,
    out_type=jax.ShapeDtypeStruct((N_ROWS, EMBED), jnp.float32),
    compiler_params=pltpu.CompilerParams(needs_layout_passes=False),
    scratch_types=(
        [pltpu.VMEM_SHARED((NUM_EDGE_TYPE, EMBED), jnp.float32),
         pltpu.VMEM((NBUF * (CHUNK // 128), 128), jnp.int32),
         pltpu.VMEM((NBUF * CHUNK, EMBED), jnp.float32)]
        + [pltpu.SemaphoreType.DMA] * (3 * NBUF)
    ),
)
def _gather(idx_hbm, table_hbm, out_hbm, table_sh, idx_v, rows_v, *sems):
    gsems, osems, isems = sems[:NBUF], sems[NBUF:2 * NBUF], sems[2 * NBUF:]
    sid = lax.axis_index("s")
    wid = sid * 2 + lax.axis_index("c")
    KI = CHUNK // 128
    irow_base = wid * N_CHUNKS * KI
    out_base = wid * ROWS_PER_W

    pl.when(sid == 0)(lambda: pltpu.sync_copy(table_hbm, table_sh))
    plsc.subcore_barrier()

    def idesc(c, b):
        return pltpu.make_async_copy(
            idx_hbm.at[pl.ds(irow_base + c * KI, KI)],
            idx_v.at[pl.ds(b * KI, KI)],
            isems[b])

    def gdescs(b):
        return [
            pltpu.make_async_copy(
                table_sh.at[idx_v.at[b * KI + j]],
                rows_v.at[pl.ds(b * CHUNK + j * 128, 128)],
                gsems[b])
            for j in range(KI)]

    def gstart(b):
        for d in gdescs(b):
            d.start()

    def gwait(b):
        for d in gdescs(b):
            d.wait()

    def odesc(c, b):
        return pltpu.make_async_copy(
            rows_v.at[pl.ds(b * CHUNK, CHUNK)],
            out_hbm.at[pl.ds(out_base + c * CHUNK, CHUNK)],
            osems[b])

    for b in range(NBUF):
        idesc(b, b).start()

    n_groups = N_CHUNKS // NBUF

    def body(g, carry):
        cb = NBUF * g
        for b in range(NBUF):
            c = cb + b
            pl.when(g > 0)(lambda: odesc(c - NBUF, b).wait())
            idesc(c, b).wait()
            gstart(b)
            b2 = (b - SHIP) % NBUF
            c2 = c - SHIP

            def ship():
                gwait(b2)
                odesc(c2, b2).start()

            def prefetch():
                idesc(c2 + NBUF, b2).start()

            pl.when(c >= SHIP)(ship)
            pl.when((c >= SHIP) & (c2 + NBUF < N_CHUNKS))(prefetch)
        return carry

    lax.fori_loop(0, n_groups, body, 0)

    for c in range(N_CHUNKS - SHIP, N_CHUNKS):
        gwait(c % NBUF)
        odesc(c, c % NBUF).start()
    for c in range(N_CHUNKS - NBUF, N_CHUNKS):
        odesc(c, c % NBUF).wait()


def kernel(data, edge_type_embedding):
    idx = data.reshape(N_ROWS // 128, 128)
    out = _gather(idx, edge_type_embedding)
    return out.reshape(BATCH, HIST, EMBED)

# --- scband reference (transcript-rebuilt; emitter-appended) ---
"""Pipeline reference for scband-edge-embedding-58660663329067 (READ-ONLY COPY).

The authoritative reference and input builder live on the scoring server;
editing this copy changes nothing except your own understanding.
"""

import jax, jax.numpy as jnp
import numpy as np

NUM_EDGE_TYPE = 64
EMBED_SIZE = 128
BATCH = 4096
HIST = 200


def setup_inputs(seed: int = 0) -> dict:
    key = jax.random.key(seed)
    k1, k2 = jax.random.split(key)
    init_range = 6.0 / np.sqrt(EMBED_SIZE)
    # edge_type_embedding is an nn.Parameter built at init time from averaged
    # attribute embeddings; for the forward reference we materialize it directly
    # with the same uniform init range as the underlying attr embedding table.
    edge_type_embedding = jax.random.uniform(
        k1, (NUM_EDGE_TYPE, EMBED_SIZE), minval=-init_range, maxval=init_range,
        dtype=jnp.float32)
    data = jax.random.randint(k2, (BATCH, HIST), 0, NUM_EDGE_TYPE, dtype=jnp.int32)
    return {"data": data, "edge_type_embedding": edge_type_embedding}


def reference(data, edge_type_embedding):
    # forward: embedding_list = [edge_type_embedding[data.long()]]
    emb = jnp.take(edge_type_embedding, data.astype(jnp.int32), axis=0)
    # fusion_type == 'add' -> sum(embedding_list) over a single-element list
    return emb

if __name__ == "__main__":
    import jax
    _d = setup_inputs()
    print(jax.jit(kernel)(*tuple(_d.values())))

</pallas_src>

<mosaic_0001>
#map = affine_map<(d0, d1) -> (0, 0)>
module attributes {stable_mosaic.version = 14 : i64} {
  func.func @_gather(%arg0: i32, %arg1: i32, %arg2: memref<6400x128xi32, #tpu.memory_space<hbm>>, %arg3: memref<64x128xf32, #tpu.memory_space<hbm>>, %arg4: memref<819200x128xf32, #tpu.memory_space<hbm>>, %arg5: memref<64x128xf32, #tpu.memory_space<vmem_shared>>, %arg6: memref<5x128xi32, #tpu.memory_space<vmem>>, %arg7: memref<640x128xf32, #tpu.memory_space<vmem>>, %arg8: memref<!tpu.dma_semaphore, #tpu.memory_space<semaphore_mem>>, %arg9: memref<!tpu.dma_semaphore, #tpu.memory_space<semaphore_mem>>, %arg10: memref<!tpu.dma_semaphore, #tpu.memory_space<semaphore_mem>>, %arg11: memref<!tpu.dma_semaphore, #tpu.memory_space<semaphore_mem>>, %arg12: memref<!tpu.dma_semaphore, #tpu.memory_space<semaphore_mem>>, %arg13: memref<!tpu.dma_semaphore, #tpu.memory_space<semaphore_mem>>, %arg14: memref<!tpu.dma_semaphore, #tpu.memory_space<semaphore_mem>>, %arg15: memref<!tpu.dma_semaphore, #tpu.memory_space<semaphore_mem>>, %arg16: memref<!tpu.dma_semaphore, #tpu.memory_space<semaphore_mem>>, %arg17: memref<!tpu.dma_semaphore, #tpu.memory_space<semaphore_mem>>, %arg18: memref<!tpu.dma_semaphore, #tpu.memory_space<semaphore_mem>>, %arg19: memref<!tpu.dma_semaphore, #tpu.memory_space<semaphore_mem>>, %arg20: memref<!tpu.dma_semaphore, #tpu.memory_space<semaphore_mem>>, %arg21: memref<!tpu.dma_semaphore, #tpu.memory_space<semaphore_mem>>, %arg22: memref<!tpu.dma_semaphore, #tpu.memory_space<semaphore_mem>>) attributes {dimension_semantics = [#tpu.dimension_semantics<core_parallel>, #tpu.dimension_semantics<subcore_parallel>], iteration_bounds = array<i64: 2, 16>, scalar_prefetch = 0 : i64, scratch_operands = 18 : i64, tpu.core_type = #tpu.core_type<sc_vector_subcore>, window_params = [{transform_indices = #map}, {transform_indices = #map}, {transform_indices = #map}]} {
    %mul3A = arith.constant 2 : i32
    %mul3A_0 = arith.muli %arg1, %mul3A : i32
    %add3A = arith.addi %mul3A_0, %arg0 : i32
    %mul3A_1 = arith.constant 200 : i32
    %mul3A_2 = arith.muli %add3A, %mul3A_1 : i32
    %mul3A_3 = arith.constant 1 : i32
    %mul3A_4 = arith.muli %mul3A_2, %mul3A_3 : i32
    %mul3A_5 = arith.constant 25600 : i32
    %mul3A_6 = arith.muli %add3A, %mul3A_5 : i32
    %eq3A = arith.constant 0 : i32
    %eq3A_7 = arith.cmpi eq, %arg1, %eq3A : i32
    %convert_element_type3A = arith.extui %eq3A_7 : i1 to i32
    %cond3A = arith.constant 0 : i32
    %cond3A_8 = arith.cmpi ne, %convert_element_type3A, %cond3A : i32
    scf.if %cond3A_8 {
      "tpu.region"() ({
        %run_scoped3A = tpu.sem_alloc : memref<!tpu.dma_semaphore, #tpu.memory_space<semaphore_mem>>
        tpu.enqueue_dma source(%arg3 : memref<64x128xf32, #tpu.memory_space<hbm>>) target(%arg5 : memref<64x128xf32, #tpu.memory_space<vmem_shared>>) target_semaphore(%run_scoped3A : memref<!tpu.dma_semaphore, #tpu.memory_space<semaphore_mem>>)
        tpu.wait_dma2 semaphore(%run_scoped3A : memref<!tpu.dma_semaphore, #tpu.memory_space<semaphore_mem>>) src(%arg3 : memref<64x128xf32, #tpu.memory_space<hbm>>) dst(%arg5 : memref<64x128xf32, #tpu.memory_space<vmem_shared>>)
        tpu.yield
      }) : () -> ()
    } else {
    }
    %barrier3A = arith.constant 0 : index
    tpu.barrier barrier_id(%barrier3A)
    %add3A_9 = arith.constant 0 : i32
    %add3A_10 = arith.addi %mul3A_4, %add3A_9 : i32
    %dma_start3A = arith.constant 0 : i32
    %dma_start3A_11 = arith.constant 0 : i32
    %dma_start3A_12 = tpu.memref_slice %arg6[%dma_start3A, %dma_start3A_11] : memref<5x128xi32, #tpu.memory_space<vmem>> -> memref<1x128xi32, #tpu.memory_space<vmem>>
    %dma_start3A_13 = arith.constant 0 : i32
    %dma_start3A_14 = tpu.memref_slice %arg2[%add3A_10, %dma_start3A_13] : memref<6400x128xi32, #tpu.memory_space<hbm>> -> memref<1x128xi32, #tpu.memory_space<hbm>>
    %dma_start3A_15 = arith.constant 0 : i32
    %dma_start3A_16 = arith.constant 0 : i32
    %dma_start3A_17 = tpu.memref_slice %arg6[%dma_start3A_15, %dma_start3A_16] : memref<5x128xi32, #tpu.memory_space<vmem>> -> memref<1x128xi32, #tpu.memory_space<vmem>>
    %dma_start3A_18 = arith.constant 0 : i32
    %dma_start3A_19 = tpu.memref_slice %arg2[%add3A_10, %dma_start3A_18] : memref<6400x128xi32, #tpu.memory_space<hbm>> -> memref<1x128xi32, #tpu.memory_space<hbm>>
    tpu.enqueue_dma source(%dma_start3A_19 : memref<1x128xi32, #tpu.memory_space<hbm>>) target(%dma_start3A_17 : memref<1x128xi32, #tpu.memory_space<vmem>>) target_semaphore(%arg18 : memref<!tpu.dma_semaphore, #tpu.memory_space<semaphore_mem>>)
    %add3A_20 = arith.constant 1 : i32
    %add3A_21 = arith.addi %mul3A_4, %add3A_20 : i32
    %dma_start3A_22 = arith.constant 1 : i32
    %dma_start3A_23 = arith.constant 0 : i32
    %dma_start3A_24 = tpu.memref_slice %arg6[%dma_start3A_22, %dma_start3A_23] : memref<5x128xi32, #tpu.memory_space<vmem>> -> memref<1x128xi32, #tpu.memory_space<vmem>>
    %dma_start3A_25 = arith.constant 0 : i32
    %dma_start3A_26 = tpu.memref_slice %arg2[%add3A_21, %dma_start3A_25] : memref<6400x128xi32, #tpu.memory_space<hbm>> -> memref<1x128xi32, #tpu.memory_space<hbm>>
    %dma_start3A_27 = arith.constant 1 : i32
    %dma_start3A_28 = arith.constant 0 : i32
    %dma_start3A_29 = tpu.memref_slice %arg6[%dma_start3A_27, %dma_start3A_28] : memref<5x128xi32, #tpu.memory_space<vmem>> -> memref<1x128xi32, #tpu.memory_space<vmem>>
    %dma_start3A_30 = arith.constant 0 : i32
    %dma_start3A_31 = tpu.memref_slice %arg2[%add3A_21, %dma_start3A_30] : memref<6400x128xi32, #tpu.memory_space<hbm>> -> memref<1x128xi32, #tpu.memory_space<hbm>>
    tpu.enqueue_dma source(%dma_start3A_31 : memref<1x128xi32, #tpu.memory_space<hbm>>) target(%dma_start3A_29 : memref<1x128xi32, #tpu.memory_space<vmem>>) target_semaphore(%arg19 : memref<!tpu.dma_semaphore, #tpu.memory_space<semaphore_mem>>)
    %add3A_32 = arith.constant 2 : i32
    %add3A_33 = arith.addi %mul3A_4, %add3A_32 : i32
    %dma_start3A_34 = arith.constant 2 : i32
    %dma_start3A_35 = arith.constant 0 : i32
    %dma_start3A_36 = tpu.memref_slice %arg6[%dma_start3A_34, %dma_start3A_35] : memref<5x128xi32, #tpu.memory_space<vmem>> -> memref<1x128xi32, #tpu.memory_space<vmem>>
    %dma_start3A_37 = arith.constant 0 : i32
    %dma_start3A_38 = tpu.memref_slice %arg2[%add3A_33, %dma_start3A_37] : memref<6400x128xi32, #tpu.memory_space<hbm>> -> memref<1x128xi32, #tpu.memory_space<hbm>>
    %dma_start3A_39 = arith.constant 2 : i32
    %dma_start3A_40 = arith.constant 0 : i32
    %dma_start3A_41 = tpu.memref_slice %arg6[%dma_start3A_39, %dma_start3A_40] : memref<5x128xi32, #tpu.memory_space<vmem>> -> memref<1x128xi32, #tpu.memory_space<vmem>>
    %dma_start3A_42 = arith.constant 0 : i32
    %dma_start3A_43 = tpu.memref_slice %arg2[%add3A_33, %dma_start3A_42] : memref<6400x128xi32, #tpu.memory_space<hbm>> -> memref<1x128xi32, #tpu.memory_space<hbm>>
    tpu.enqueue_dma source(%dma_start3A_43 : memref<1x128xi32, #tpu.memory_space<hbm>>) target(%dma_start3A_41 : memref<1x128xi32, #tpu.memory_space<vmem>>) target_semaphore(%arg20 : memref<!tpu.dma_semaphore, #tpu.memory_space<semaphore_mem>>)
    %add3A_44 = arith.constant 3 : i32
    %add3A_45 = arith.addi %mul3A_4, %add3A_44 : i32
    %dma_start3A_46 = arith.constant 3 : i32
    %dma_start3A_47 = arith.constant 0 : i32
    %dma_start3A_48 = tpu.memref_slice %arg6[%dma_start3A_46, %dma_start3A_47] : memref<5x128xi32, #tpu.memory_space<vmem>> -> memref<1x128xi32, #tpu.memory_space<vmem>>
    %dma_start3A_49 = arith.constant 0 : i32
    %dma_start3A_50 = tpu.memref_slice %arg2[%add3A_45, %dma_start3A_49] : memref<6400x128xi32, #tpu.memory_space<hbm>> -> memref<1x128xi32, #tpu.memory_space<hbm>>
    %dma_start3A_51 = arith.constant 3 : i32
    %dma_start3A_52 = arith.constant 0 : i32
    %dma_start3A_53 = tpu.memref_slice %arg6[%dma_start3A_51, %dma_start3A_52] : memref<5x128xi32, #tpu.memory_space<vmem>> -> memref<1x128xi32, #tpu.memory_space<vmem>>
    %dma_start3A_54 = arith.constant 0 : i32
    %dma_start3A_55 = tpu.memref_slice %arg2[%add3A_45, %dma_start3A_54] : memref<6400x128xi32, #tpu.memory_space<hbm>> -> memref<1x128xi32, #tpu.memory_space<hbm>>
    tpu.enqueue_dma source(%dma_start3A_55 : memref<1x128xi32, #tpu.memory_space<hbm>>) target(%dma_start3A_53 : memref<1x128xi32, #tpu.memory_space<vmem>>) target_semaphore(%arg21 : memref<!tpu.dma_semaphore, #tpu.memory_space<semaphore_mem>>)
    %add3A_56 = arith.constant 4 : i32
    %add3A_57 = arith.addi %mul3A_4, %add3A_56 : i32
    %dma_start3A_58 = arith.constant 4 : i32
    %dma_start3A_59 = arith.constant 0 : i32
    %dma_start3A_60 = tpu.memref_slice %arg6[%dma_start3A_58, %dma_start3A_59] : memref<5x128xi32, #tpu.memory_space<vmem>> -> memref<1x128xi32, #tpu.memory_space<vmem>>
    %dma_start3A_61 = arith.constant 0 : i32
    %dma_start3A_62 = tpu.memref_slice %arg2[%add3A_57, %dma_start3A_61] : memref<6400x128xi32, #tpu.memory_space<hbm>> -> memref<1x128xi32, #tpu.memory_space<hbm>>
    %dma_start3A_63 = arith.constant 4 : i32
    %dma_start3A_64 = arith.constant 0 : i32
    %dma_start3A_65 = tpu.memref_slice %arg6[%dma_start3A_63, %dma_start3A_64] : memref<5x128xi32, #tpu.memory_space<vmem>> -> memref<1x128xi32, #tpu.memory_space<vmem>>
    %dma_start3A_66 = arith.constant 0 : i32
    %dma_start3A_67 = tpu.memref_slice %arg2[%add3A_57, %dma_start3A_66] : memref<6400x128xi32, #tpu.memory_space<hbm>> -> memref<1x128xi32, #tpu.memory_space<hbm>>
    tpu.enqueue_dma source(%dma_start3A_67 : memref<1x128xi32, #tpu.memory_space<hbm>>) target(%dma_start3A_65 : memref<1x128xi32, #tpu.memory_space<vmem>>) target_semaphore(%arg22 : memref<!tpu.dma_semaphore, #tpu.memory_space<semaphore_mem>>)
    %scan3A = arith.constant 0 : i32
    %scan3A_68 = arith.constant 0 : i32
    %scan3A_69 = arith.constant 40 : i32
    %scan3A_70 = arith.addi %scan3A_68, %scan3A_69 : i32
    %scan3A_71 = arith.constant 1 : i32
    scf.for %scan3A_176 = %scan3A_68 to %scan3A_70 step %scan3A_71  : i32 {
      %mul3A_177 = arith.constant 5 : i32
      %mul3A_178 = arith.muli %mul3A_177, %scan3A_176 : i32
      %add3A_179 = arith.constant 0 : i32
      %add3A_180 = arith.addi %mul3A_178, %add3A_179 : i32
      %gt3A = arith.constant 0 : i32
      %gt3A_181 = arith.cmpi sgt, %scan3A_176, %gt3A : i32
      %convert_element_type3A_182 = arith.extui %gt3A_181 : i1 to i32
      %cond3A_183 = arith.constant 0 : i32
      %cond3A_184 = arith.cmpi ne, %convert_element_type3A_182, %cond3A_183 : i32
      scf.if %cond3A_184 {
        %sub3A_409 = arith.constant 5 : i32
        %sub3A_410 = arith.subi %add3A_180, %sub3A_409 : i32
        %mul3A_411 = arith.constant 128 : i32
        %mul3A_412 = arith.muli %sub3A_410, %mul3A_411 : i32
        %add3A_413 = arith.addi %mul3A_6, %mul3A_412 : i32
        %dma_wait3A_414 = arith.constant 0 : i32
        %dma_wait3A_415 = arith.constant 0 : i32
        %dma_wait3A_416 = tpu.memref_slice %arg7[%dma_wait3A_414, %dma_wait3A_415] : memref<640x128xf32, #tpu.memory_space<vmem>> -> memref<128x128xf32, #tpu.memory_space<vmem>>
        %dma_wait3A_417 = arith.constant 0 : i32
        %dma_wait3A_418 = tpu.memref_slice %arg4[%add3A_413, %dma_wait3A_417] : memref<819200x128xf32, #tpu.memory_space<hbm>> -> memref<128x128xf32, #tpu.memory_space<hbm>>
        %dma_wait3A_419 = arith.constant 0 : i32
        %dma_wait3A_420 = tpu.memref_slice %arg4[%add3A_413, %dma_wait3A_419] : memref<819200x128xf32, #tpu.memory_space<hbm>> -> memref<128x128xf32, #tpu.memory_space<hbm>>
        %dma_wait3A_421 = arith.constant 0 : i32
        %dma_wait3A_422 = arith.constant 0 : i32
        %dma_wait3A_423 = tpu.memref_slice %arg7[%dma_wait3A_421, %dma_wait3A_422] : memref<640x128xf32, #tpu.memory_space<vmem>> -> memref<128x128xf32, #tpu.memory_space<vmem>>
        tpu.wait_dma2 semaphore(%arg13 : memref<!tpu.dma_semaphore, #tpu.memory_space<semaphore_mem>>) src(%dma_wait3A_423 : memref<128x128xf32, #tpu.memory_space<vmem>>) dst(%dma_wait3A_420 : memref<128x128xf32, #tpu.memory_space<hbm>>)
      } else {
      }
      %mul3A_185 = arith.constant 1 : i32
      %mul3A_186 = arith.muli %add3A_180, %mul3A_185 : i32
      %add3A_187 = arith.addi %mul3A_4, %mul3A_186 : i32
      %dma_wait3A_188 = arith.constant 0 : i32
      %dma_wait3A_189 = arith.constant 0 : i32
      %dma_wait3A_190 = tpu.memref_slice %arg6[%dma_wait3A_188, %dma_wait3A_189] : memref<5x128xi32, #tpu.memory_space<vmem>> -> memref<1x128xi32, #tpu.memory_space<vmem>>
      %dma_wait3A_191 = arith.constant 0 : i32
      %dma_wait3A_192 = tpu.memref_slice %arg2[%add3A_187, %dma_wait3A_191] : memref<6400x128xi32, #tpu.memory_space<hbm>> -> memref<1x128xi32, #tpu.memory_space<hbm>>
      %dma_wait3A_193 = arith.constant 0 : i32
      %dma_wait3A_194 = arith.constant 0 : i32
      %dma_wait3A_195 = tpu.memref_slice %arg6[%dma_wait3A_193, %dma_wait3A_194] : memref<5x128xi32, #tpu.memory_space<vmem>> -> memref<1x128xi32, #tpu.memory_space<vmem>>
      %dma_wait3A_196 = arith.constant 0 : i32
      %dma_wait3A_197 = tpu.memref_slice %arg2[%add3A_187, %dma_wait3A_196] : memref<6400x128xi32, #tpu.memory_space<hbm>> -> memref<1x128xi32, #tpu.memory_space<hbm>>
      tpu.wait_dma2 semaphore(%arg18 : memref<!tpu.dma_semaphore, #tpu.memory_space<semaphore_mem>>) src(%dma_wait3A_197 : memref<1x128xi32, #tpu.memory_space<hbm>>) dst(%dma_wait3A_195 : memref<1x128xi32, #tpu.memory_space<vmem>>)
      %dma_start3A_198 = arith.constant 0 : i32
      %dma_start3A_199 = arith.constant 0 : i32
      %dma_start3A_200 = arith.constant 0 : i32
      %dma_start3A_201 = tpu.memref_slice %arg7[%dma_start3A_199, %dma_start3A_200] : memref<640x128xf32, #tpu.memory_space<vmem>> -> memref<128x128xf32, #tpu.memory_space<vmem>>
      %dma_start3A_202 = arith.constant 0 : i32
      %dma_start3A_203 = tpu.memref_slice %arg6[%dma_start3A_198, %dma_start3A_202] : memref<5x128xi32, #tpu.memory_space<vmem>> -> memref<1x128xi32, #tpu.memory_space<vmem>>
      %dma_start3A_204 = tpu.memref_squeeze %dma_start3A_203 : memref<1x128xi32, #tpu.memory_space<vmem>> -> memref<128xi32, #tpu.memory_space<vmem>>
      %dma_start3A_205 = arith.constant 0 : i32
      %dma_start3A_206 = arith.constant 0 : i32
      %dma_start3A_207 = tpu.memref_slice %arg5[%dma_start3A_205, %dma_start3A_206] : memref<64x128xf32, #tpu.memory_space<vmem_shared>> -> memref<64x128xf32, #tpu.memory_space<vmem_shared>>
      tpu.enqueue_indirect_dma source(%dma_start3A_207 : memref<64x128xf32, #tpu.memory_space<vmem_shared>>) target(%dma_start3A_201 : memref<128x128xf32, #tpu.memory_space<vmem>>) offsets(%dma_start3A_204 : memref<128xi32, #tpu.memory_space<vmem>>) semaphore(%arg8 : memref<!tpu.dma_semaphore, #tpu.memory_space<semaphore_mem>>)
      %sub3A = arith.constant 2 : i32
      %sub3A_208 = arith.subi %add3A_180, %sub3A : i32
      %ge3A = arith.constant 2 : i32
      %ge3A_209 = arith.cmpi sge, %add3A_180, %ge3A : i32
      %convert_element_type3A_210 = arith.extui %ge3A_209 : i1 to i32
      %cond3A_211 = arith.constant 0 : i32
      %cond3A_212 = arith.cmpi ne, %convert_element_type3A_210, %cond3A_211 : i32
      scf.if %cond3A_212 {
        %dma_wait3A_409 = arith.constant 3 : i32
        %dma_wait3A_410 = arith.constant 384 : i32
        %dma_wait3A_411 = arith.constant 0 : i32
        %dma_wait3A_412 = tpu.memref_slice %arg7[%dma_wait3A_410, %dma_wait3A_411] : memref<640x128xf32, #tpu.memory_space<vmem>> -> memref<128x128xf32, #tpu.memory_space<vmem>>
        %dma_wait3A_413 = arith.constant 0 : i32
        %dma_wait3A_414 = tpu.memref_slice %arg6[%dma_wait3A_409, %dma_wait3A_413] : memref<5x128xi32, #tpu.memory_space<vmem>> -> memref<1x128xi32, #tpu.memory_space<vmem>>
        %dma_wait3A_415 = tpu.memref_squeeze %dma_wait3A_414 : memref<1x128xi32, #tpu.memory_space<vmem>> -> memref<128xi32, #tpu.memory_space<vmem>>
        %dma_wait3A_416 = arith.constant 0 : i32
        %dma_wait3A_417 = arith.constant 0 : i32
        %dma_wait3A_418 = tpu.memref_slice %arg5[%dma_wait3A_416, %dma_wait3A_417] : memref<64x128xf32, #tpu.memory_space<vmem_shared>> -> memref<64x128xf32, #tpu.memory_space<vmem_shared>>
        tpu.wait_indirect_dma semaphore(%arg11 : memref<!tpu.dma_semaphore, #tpu.memory_space<semaphore_mem>>) src(%dma_wait3A_418 : memref<64x128xf32, #tpu.memory_space<vmem_shared>>) dst(%dma_wait3A_412 : memref<128x128xf32, #tpu.memory_space<vmem>>)
        %mul3A_419 = arith.constant 128 : i32
        %mul3A_420 = arith.muli %sub3A_208, %mul3A_419 : i32
        %add3A_421 = arith.addi %mul3A_6, %mul3A_420 : i32
        %dma_start3A_422 = arith.constant 384 : i32
        %dma_start3A_423 = arith.constant 0 : i32
        %dma_start3A_424 = tpu.memref_slice %arg7[%dma_start3A_422, %dma_start3A_423] : memref<640x128xf32, #tpu.memory_space<vmem>> -> memref<128x128xf32, #tpu.memory_space<vmem>>
        %dma_start3A_425 = arith.constant 0 : i32
        %dma_start3A_426 = tpu.memref_slice %arg4[%add3A_421, %dma_start3A_425] : memref<819200x128xf32, #tpu.memory_space<hbm>> -> memref<128x128xf32, #tpu.memory_space<hbm>>
        %dma_start3A_427 = arith.constant 0 : i32
        %dma_start3A_428 = tpu.memref_slice %arg4[%add3A_421, %dma_start3A_427] : memref<819200x128xf32, #tpu.memory_space<hbm>> -> memref<128x128xf32, #tpu.memory_space<hbm>>
        %dma_start3A_429 = arith.constant 384 : i32
        %dma_start3A_430 = arith.constant 0 : i32
        %dma_start3A_431 = tpu.memref_slice %arg7[%dma_start3A_429, %dma_start3A_430] : memref<640x128xf32, #tpu.memory_space<vmem>> -> memref<128x128xf32, #tpu.memory_space<vmem>>
        tpu.enqueue_dma source(%dma_start3A_431 : memref<128x128xf32, #tpu.memory_space<vmem>>) target(%dma_start3A_428 : memref<128x128xf32, #tpu.memory_space<hbm>>) target_semaphore(%arg16 : memref<!tpu.dma_semaphore, #tpu.memory_space<semaphore_mem>>)
      } else {
      }
      %ge3A_213 = arith.constant 2 : i32
      %ge3A_214 = arith.cmpi sge, %add3A_180, %ge3A_213 : i32
      %add3A_215 = arith.constant 5 : i32
      %add3A_216 = arith.addi %sub3A_208, %add3A_215 : i32
      %lt3A = arith.constant 200 : i32
      %lt3A_217 = arith.cmpi slt, %add3A_216, %lt3A : i32
      %and3A = arith.andi %ge3A_214, %lt3A_217 : i1
      %convert_element_type3A_218 = arith.extui %and3A : i1 to i32
      %cond3A_219 = arith.constant 0 : i32
      %cond3A_220 = arith.cmpi ne, %convert_element_type3A_218, %cond3A_219 : i32
      scf.if %cond3A_220 {
        %add3A_409 = arith.constant 5 : i32
        %add3A_410 = arith.addi %sub3A_208, %add3A_409 : i32
        %mul3A_411 = arith.constant 1 : i32
        %mul3A_412 = arith.muli %add3A_410, %mul3A_411 : i32
        %add3A_413 = arith.addi %mul3A_4, %mul3A_412 : i32
        %dma_start3A_414 = arith.constant 3 : i32
        %dma_start3A_415 = arith.constant 0 : i32
        %dma_start3A_416 = tpu.memref_slice %arg6[%dma_start3A_414, %dma_start3A_415] : memref<5x128xi32, #tpu.memory_space<vmem>> -> memref<1x128xi32, #tpu.memory_space<vmem>>
        %dma_start3A_417 = arith.constant 0 : i32
        %dma_start3A_418 = tpu.memref_slice %arg2[%add3A_413, %dma_start3A_417] : memref<6400x128xi32, #tpu.memory_space<hbm>> -> memref<1x128xi32, #tpu.memory_space<hbm>>
        %dma_start3A_419 = arith.constant 3 : i32
        %dma_start3A_420 = arith.constant 0 : i32
        %dma_start3A_421 = tpu.memref_slice %arg6[%dma_start3A_419, %dma_start3A_420] : memref<5x128xi32, #tpu.memory_space<vmem>> -> memref<1x128xi32, #tpu.memory_space<vmem>>
        %dma_start3A_422 = arith.constant 0 : i32
        %dma_start3A_423 = tpu.memref_slice %arg2[%add3A_413, %dma_start3A_422] : memref<6400x128xi32, #tpu.memory_space<hbm>> -> memref<1x128xi32, #tpu.memory_space<hbm>>
        tpu.enqueue_dma source(%dma_start3A_423 : memref<1x128xi32, #tpu.memory_space<hbm>>) target(%dma_start3A_421 : memref<1x128xi32, #tpu.memory_space<vmem>>) target_semaphore(%arg21 : memref<!tpu.dma_semaphore, #tpu.memory_space<semaphore_mem>>)
      } else {
      }
      %add3A_221 = arith.constant 1 : i32
      %add3A_222 = arith.addi %mul3A_178, %add3A_221 : i32
      %gt3A_223 = arith.constant 0 : i32
      %gt3A_224 = arith.cmpi sgt, %scan3A_176, %gt3A_223 : i32
      %convert_element_type3A_225 = arith.extui %gt3A_224 : i1 to i32
      %cond3A_226 = arith.constant 0 : i32
      %cond3A_227 = arith.cmpi ne, %convert_element_type3A_225, %cond3A_226 : i32
      scf.if %cond3A_227 {
        %sub3A_409 = arith.constant 5 : i32
        %sub3A_410 = arith.subi %add3A_222, %sub3A_409 : i32
        %mul3A_411 = arith.constant 128 : i32
        %mul3A_412 = arith.muli %sub3A_410, %mul3A_411 : i32
        %add3A_413 = arith.addi %mul3A_6, %mul3A_412 : i32
        %dma_wait3A_414 = arith.constant 128 : i32
        %dma_wait3A_415 = arith.constant 0 : i32
        %dma_wait3A_416 = tpu.memref_slice %arg7[%dma_wait3A_414, %dma_wait3A_415] : memref<640x128xf32, #tpu.memory_space<vmem>> -> memref<128x128xf32, #tpu.memory_space<vmem>>
        %dma_wait3A_417 = arith.constant 0 : i32
        %dma_wait3A_418 = tpu.memref_slice %arg4[%add3A_413, %dma_wait3A_417] : memref<819200x128xf32, #tpu.memory_space<hbm>> -> memref<128x128xf32, #tpu.memory_space<hbm>>
        %dma_wait3A_419 = arith.constant 0 : i32
        %dma_wait3A_420 = tpu.memref_slice %arg4[%add3A_413, %dma_wait3A_419] : memref<819200x128xf32, #tpu.memory_space<hbm>> -> memref<128x128xf32, #tpu.memory_space<hbm>>
        %dma_wait3A_421 = arith.constant 128 : i32
        %dma_wait3A_422 = arith.constant 0 : i32
        %dma_wait3A_423 = tpu.memref_slice %arg7[%dma_wait3A_421, %dma_wait3A_422] : memref<640x128xf32, #tpu.memory_space<vmem>> -> memref<128x128xf32, #tpu.memory_space<vmem>>
        tpu.wait_dma2 semaphore(%arg14 : memref<!tpu.dma_semaphore, #tpu.memory_space<semaphore_mem>>) src(%dma_wait3A_423 : memref<128x128xf32, #tpu.memory_space<vmem>>) dst(%dma_wait3A_420 : memref<128x128xf32, #tpu.memory_space<hbm>>)
      } else {
      }
      %mul3A_228 = arith.constant 1 : i32
      %mul3A_229 = arith.muli %add3A_222, %mul3A_228 : i32
      %add3A_230 = arith.addi %mul3A_4, %mul3A_229 : i32
      %dma_wait3A_231 = arith.constant 1 : i32
      %dma_wait3A_232 = arith.constant 0 : i32
      %dma_wait3A_233 = tpu.memref_slice %arg6[%dma_wait3A_231, %dma_wait3A_232] : memref<5x128xi32, #tpu.memory_space<vmem>> -> memref<1x128xi32, #tpu.memory_space<vmem>>
      %dma_wait3A_234 = arith.constant 0 : i32
      %dma_wait3A_235 = tpu.memref_slice %arg2[%add3A_230, %dma_wait3A_234] : memref<6400x128xi32, #tpu.memory_space<hbm>> -> memref<1x128xi32, #tpu.memory_space<hbm>>
      %dma_wait3A_236 = arith.constant 1 : i32
      %dma_wait3A_237 = arith.constant 0 : i32
      %dma_wait3A_238 = tpu.memref_slice %arg6[%dma_wait3A_236, %dma_wait3A_237] : memref<5x128xi32, #tpu.memory_space<vmem>> -> memref<1x128xi32, #tpu.memory_space<vmem>>
      %dma_wait3A_239 = arith.constant 0 : i32
      %dma_wait3A_240 = tpu.memref_slice %arg2[%add3A_230, %dma_wait3A_239] : memref<6400x128xi32, #tpu.memory_space<hbm>> -> memref<1x128xi32, #tpu.memory_space<hbm>>
      tpu.wait_dma2 semaphore(%arg19 : memref<!tpu.dma_semaphore, #tpu.memory_space<semaphore_mem>>) src(%dma_wait3A_240 : memref<1x128xi32, #tpu.memory_space<hbm>>) dst(%dma_wait3A_238 : memref<1x128xi32, #tpu.memory_space<vmem>>)
      %dma_start3A_241 = arith.constant 1 : i32
      %dma_start3A_242 = arith.constant 128 : i32
      %dma_start3A_243 = arith.constant 0 : i32
      %dma_start3A_244 = tpu.memref_slice %arg7[%dma_start3A_242, %dma_start3A_243] : memref<640x128xf32, #tpu.memory_space<vmem>> -> memref<128x128xf32, #tpu.memory_space<vmem>>
      %dma_start3A_245 = arith.constant 0 : i32
      %dma_start3A_246 = tpu.memref_slice %arg6[%dma_start3A_241, %dma_start3A_245] : memref<5x128xi32, #tpu.memory_space<vmem>> -> memref<1x128xi32, #tpu.memory_space<vmem>>
      %dma_start3A_247 = tpu.memref_squeeze %dma_start3A_246 : memref<1x128xi32, #tpu.memory_space<vmem>> -> memref<128xi32, #tpu.memory_space<vmem>>
      %dma_start3A_248 = arith.constant 0 : i32
      %dma_start3A_249 = arith.constant 0 : i32
      %dma_start3A_250 = tpu.memref_slice %arg5[%dma_start3A_248, %dma_start3A_249] : memref<64x128xf32, #tpu.memory_space<vmem_shared>> -> memref<64x128xf32, #tpu.memory_space<vmem_shared>>
      tpu.enqueue_indirect_dma source(%dma_start3A_250 : memref<64x128xf32, #tpu.memory_space<vmem_shared>>) target(%dma_start3A_244 : memref<128x128xf32, #tpu.memory_space<vmem>>) offsets(%dma_start3A_247 : memref<128xi32, #tpu.memory_space<vmem>>) semaphore(%arg9 : memref<!tpu.dma_semaphore, #tpu.memory_space<semaphore_mem>>)
      %sub3A_251 = arith.constant 2 : i32
      %sub3A_252 = arith.subi %add3A_222, %sub3A_251 : i32
      %ge3A_253 = arith.constant 2 : i32
      %ge3A_254 = arith.cmpi sge, %add3A_222, %ge3A_253 : i32
      %convert_element_type3A_255 = arith.extui %ge3A_254 : i1 to i32
      %cond3A_256 = arith.constant 0 : i32
      %cond3A_257 = arith.cmpi ne, %convert_element_type3A_255, %cond3A_256 : i32
      scf.if %cond3A_257 {
        %dma_wait3A_409 = arith.constant 4 : i32
        %dma_wait3A_410 = arith.constant 512 : i32
        %dma_wait3A_411 = arith.constant 0 : i32
        %dma_wait3A_412 = tpu.memref_slice %arg7[%dma_wait3A_410, %dma_wait3A_411] : memref<640x128xf32, #tpu.memory_space<vmem>> -> memref<128x128xf32, #tpu.memory_space<vmem>>
        %dma_wait3A_413 = arith.constant 0 : i32
        %dma_wait3A_414 = tpu.memref_slice %arg6[%dma_wait3A_409, %dma_wait3A_413] : memref<5x128xi32, #tpu.memory_space<vmem>> -> memref<1x128xi32, #tpu.memory_space<vmem>>
        %dma_wait3A_415 = tpu.memref_squeeze %dma_wait3A_414 : memref<1x128xi32, #tpu.memory_space<vmem>> -> memref<128xi32, #tpu.memory_space<vmem>>
        %dma_wait3A_416 = arith.constant 0 : i32
        %dma_wait3A_417 = arith.constant 0 : i32
        %dma_wait3A_418 = tpu.memref_slice %arg5[%dma_wait3A_416, %dma_wait3A_417] : memref<64x128xf32, #tpu.memory_space<vmem_shared>> -> memref<64x128xf32, #tpu.memory_space<vmem_shared>>
        tpu.wait_indirect_dma semaphore(%arg12 : memref<!tpu.dma_semaphore, #tpu.memory_space<semaphore_mem>>) src(%dma_wait3A_418 : memref<64x128xf32, #tpu.memory_space<vmem_shared>>) dst(%dma_wait3A_412 : memref<128x128xf32, #tpu.memory_space<vmem>>)
        %mul3A_419 = arith.constant 128 : i32
        %mul3A_420 = arith.muli %sub3A_252, %mul3A_419 : i32
        %add3A_421 = arith.addi %mul3A_6, %mul3A_420 : i32
        %dma_start3A_422 = arith.constant 512 : i32
        %dma_start3A_423 = arith.constant 0 : i32
        %dma_start3A_424 = tpu.memref_slice %arg7[%dma_start3A_422, %dma_start3A_423] : memref<640x128xf32, #tpu.memory_space<vmem>> -> memref<128x128xf32, #tpu.memory_space<vmem>>
        %dma_start3A_425 = arith.constant 0 : i32
        %dma_start3A_426 = tpu.memref_slice %arg4[%add3A_421, %dma_start3A_425] : memref<819200x128xf32, #tpu.memory_space<hbm>> -> memref<128x128xf32, #tpu.memory_space<hbm>>
        %dma_start3A_427 = arith.constant 0 : i32
        %dma_start3A_428 = tpu.memref_slice %arg4[%add3A_421, %dma_start3A_427] : memref<819200x128xf32, #tpu.memory_space<hbm>> -> memref<128x128xf32, #tpu.memory_space<hbm>>
        %dma_start3A_429 = arith.constant 512 : i32
        %dma_start3A_430 = arith.constant 0 : i32
        %dma_start3A_431 = tpu.memref_slice %arg7[%dma_start3A_429, %dma_start3A_430] : memref<640x128xf32, #tpu.memory_space<vmem>> -> memref<128x128xf32, #tpu.memory_space<vmem>>
        tpu.enqueue_dma source(%dma_start3A_431 : memref<128x128xf32, #tpu.memory_space<vmem>>) target(%dma_start3A_428 : memref<128x128xf32, #tpu.memory_space<hbm>>) target_semaphore(%arg17 : memref<!tpu.dma_semaphore, #tpu.memory_space<semaphore_mem>>)
      } else {
      }
      %ge3A_258 = arith.constant 2 : i32
      %ge3A_259 = arith.cmpi sge, %add3A_222, %ge3A_258 : i32
      %add3A_260 = arith.constant 5 : i32
      %add3A_261 = arith.addi %sub3A_252, %add3A_260 : i32
      %lt3A_262 = arith.constant 200 : i32
      %lt3A_263 = arith.cmpi slt, %add3A_261, %lt3A_262 : i32
      %and3A_264 = arith.andi %ge3A_259, %lt3A_263 : i1
      %convert_element_type3A_265 = arith.extui %and3A_264 : i1 to i32
      %cond3A_266 = arith.constant 0 : i32
      %cond3A_267 = arith.cmpi ne, %convert_element_type3A_265, %cond3A_266 : i32
      scf.if %cond3A_267 {
        %add3A_409 = arith.constant 5 : i32
        %add3A_410 = arith.addi %sub3A_252, %add3A_409 : i32
        %mul3A_411 = arith.constant 1 : i32
        %mul3A_412 = arith.muli %add3A_410, %mul3A_411 : i32
        %add3A_413 = arith.addi %mul3A_4, %mul3A_412 : i32
        %dma_start3A_414 = arith.constant 4 : i32
        %dma_start3A_415 = arith.constant 0 : i32
        %dma_start3A_416 = tpu.memref_slice %arg6[%dma_start3A_414, %dma_start3A_415] : memref<5x128xi32, #tpu.memory_space<vmem>> -> memref<1x128xi32, #tpu.memory_space<vmem>>
        %dma_start3A_417 = arith.constant 0 : i32
        %dma_start3A_418 = tpu.memref_slice %arg2[%add3A_413, %dma_start3A_417] : memref<6400x128xi32, #tpu.memory_space<hbm>> -> memref<1x128xi32, #tpu.memory_space<hbm>>
        %dma_start3A_419 = arith.constant 4 : i32
        %dma_start3A_420 = arith.constant 0 : i32
        %dma_start3A_421 = tpu.memref_slice %arg6[%dma_start3A_419, %dma_start3A_420] : memref<5x128xi32, #tpu.memory_space<vmem>> -> memref<1x128xi32, #tpu.memory_space<vmem>>
        %dma_start3A_422 = arith.constant 0 : i32
        %dma_start3A_423 = tpu.memref_slice %arg2[%add3A_413, %dma_start3A_422] : memref<6400x128xi32, #tpu.memory_space<hbm>> -> memref<1x128xi32, #tpu.memory_space<hbm>>
        tpu.enqueue_dma source(%dma_start3A_423 : memref<1x128xi32, #tpu.memory_space<hbm>>) target(%dma_start3A_421 : memref<1x128xi32, #tpu.memory_space<vmem>>) target_semaphore(%arg22 : memref<!tpu.dma_semaphore, #tpu.memory_space<semaphore_mem>>)
      } else {
      }
      %add3A_268 = arith.constant 2 : i32
      %add3A_269 = arith.addi %mul3A_178, %add3A_268 : i32
      %gt3A_270 = arith.constant 0 : i32
      %gt3A_271 = arith.cmpi sgt, %scan3A_176, %gt3A_270 : i32
      %convert_element_type3A_272 = arith.extui %gt3A_271 : i1 to i32
      %cond3A_273 = arith.constant 0 : i32
      %cond3A_274 = arith.cmpi ne, %convert_element_type3A_272, %cond3A_273 : i32
      scf.if %cond3A_274 {
        %sub3A_409 = arith.constant 5 : i32
        %sub3A_410 = arith.subi %add3A_269, %sub3A_409 : i32
        %mul3A_411 = arith.constant 128 : i32
        %mul3A_412 = arith.muli %sub3A_410, %mul3A_411 : i32
        %add3A_413 = arith.addi %mul3A_6, %mul3A_412 : i32
        %dma_wait3A_414 = arith.constant 256 : i32
        %dma_wait3A_415 = arith.constant 0 : i32
        %dma_wait3A_416 = tpu.memref_slice %arg7[%dma_wait3A_414, %dma_wait3A_415] : memref<640x128xf32, #tpu.memory_space<vmem>> -> memref<128x128xf32, #tpu.memory_space<vmem>>
        %dma_wait3A_417 = arith.constant 0 : i32
        %dma_wait3A_418 = tpu.memref_slice %arg4[%add3A_413, %dma_wait3A_417] : memref<819200x128xf32, #tpu.memory_space<hbm>> -> memref<128x128xf32, #tpu.memory_space<hbm>>
        %dma_wait3A_419 = arith.constant 0 : i32
        %dma_wait3A_420 = tpu.memref_slice %arg4[%add3A_413, %dma_wait3A_419] : memref<819200x128xf32, #tpu.memory_space<hbm>> -> memref<128x128xf32, #tpu.memory_space<hbm>>
        %dma_wait3A_421 = arith.constant 256 : i32
        %dma_wait3A_422 = arith.constant 0 : i32
        %dma_wait3A_423 = tpu.memref_slice %arg7[%dma_wait3A_421, %dma_wait3A_422] : memref<640x128xf32, #tpu.memory_space<vmem>> -> memref<128x128xf32, #tpu.memory_space<vmem>>
        tpu.wait_dma2 semaphore(%arg15 : memref<!tpu.dma_semaphore, #tpu.memory_space<semaphore_mem>>) src(%dma_wait3A_423 : memref<128x128xf32, #tpu.memory_space<vmem>>) dst(%dma_wait3A_420 : memref<128x128xf32, #tpu.memory_space<hbm>>)
      } else {
      }
      %mul3A_275 = arith.constant 1 : i32
      %mul3A_276 = arith.muli %add3A_269, %mul3A_275 : i32
      %add3A_277 = arith.addi %mul3A_4, %mul3A_276 : i32
      %dma_wait3A_278 = arith.constant 2 : i32
      %dma_wait3A_279 = arith.constant 0 : i32
      %dma_wait3A_280 = tpu.memref_slice %arg6[%dma_wait3A_278, %dma_wait3A_279] : memref<5x128xi32, #tpu.memory_space<vmem>> -> memref<1x128xi32, #tpu.memory_space<vmem>>
      %dma_wait3A_281 = arith.constant 0 : i32
      %dma_wait3A_282 = tpu.memref_slice %arg2[%add3A_277, %dma_wait3A_281] : memref<6400x128xi32, #tpu.memory_space<hbm>> -> memref<1x128xi32, #tpu.memory_space<hbm>>
      %dma_wait3A_283 = arith.constant 2 : i32
      %dma_wait3A_284 = arith.constant 0 : i32
      %dma_wait3A_285 = tpu.memref_slice %arg6[%dma_wait3A_283, %dma_wait3A_284] : memref<5x128xi32, #tpu.memory_space<vmem>> -> memref<1x128xi32, #tpu.memory_space<vmem>>
      %dma_wait3A_286 = arith.constant 0 : i32
      %dma_wait3A_287 = tpu.memref_slice %arg2[%add3A_277, %dma_wait3A_286] : memref<6400x128xi32, #tpu.memory_space<hbm>> -> memref<1x128xi32, #tpu.memory_space<hbm>>
      tpu.wait_dma2 semaphore(%arg20 : memref<!tpu.dma_semaphore, #tpu.memory_space<semaphore_mem>>) src(%dma_wait3A_287 : memref<1x128xi32, #tpu.memory_space<hbm>>) dst(%dma_wait3A_285 : memref<1x128xi32, #tpu.memory_space<vmem>>)
      %dma_start3A_288 = arith.constant 2 : i32
      %dma_start3A_289 = arith.constant 256 : i32
      %dma_start3A_290 = arith.constant 0 : i32
      %dma_start3A_291 = tpu.memref_slice %arg7[%dma_start3A_289, %dma_start3A_290] : memref<640x128xf32, #tpu.memory_space<vmem>> -> memref<128x128xf32, #tpu.memory_space<vmem>>
      %dma_start3A_292 = arith.constant 0 : i32
      %dma_start3A_293 = tpu.memref_slice %arg6[%dma_start3A_288, %dma_start3A_292] : memref<5x128xi32, #tpu.memory_space<vmem>> -> memref<1x128xi32, #tpu.memory_space<vmem>>
      %dma_start3A_294 = tpu.memref_squeeze %dma_start3A_293 : memref<1x128xi32, #tpu.memory_space<vmem>> -> memref<128xi32, #tpu.memory_space<vmem>>
      %dma_start3A_295 = arith.constant 0 : i32
      %dma_start3A_296 = arith.constant 0 : i32
      %dma_start3A_297 = tpu.memref_slice %arg5[%dma_start3A_295, %dma_start3A_296] : memref<64x128xf32, #tpu.memory_space<vmem_shared>> -> memref<64x128xf32, #tpu.memory_space<vmem_shared>>
      tpu.enqueue_indirect_dma source(%dma_start3A_297 : memref<64x128xf32, #tpu.memory_space<vmem_shared>>) target(%dma_start3A_291 : memref<128x128xf32, #tpu.memory_space<vmem>>) offsets(%dma_start3A_294 : memref<128xi32, #tpu.memory_space<vmem>>) semaphore(%arg10 : memref<!tpu.dma_semaphore, #tpu.memory_space<semaphore_mem>>)
      %sub3A_298 = arith.constant 2 : i32
      %sub3A_299 = arith.subi %add3A_269, %sub3A_298 : i32
      %ge3A_300 = arith.constant 2 : i32
      %ge3A_301 = arith.cmpi sge, %add3A_269, %ge3A_300 : i32
      %convert_element_type3A_302 = arith.extui %ge3A_301 : i1 to i32
      %cond3A_303 = arith.constant 0 : i32
      %cond3A_304 = arith.cmpi ne, %convert_element_type3A_302, %cond3A_303 : i32
      scf.if %cond3A_304 {
        %dma_wait3A_409 = arith.constant 0 : i32
        %dma_wait3A_410 = arith.constant 0 : i32
        %dma_wait3A_411 = arith.constant 0 : i32
        %dma_wait3A_412 = tpu.memref_slice %arg7[%dma_wait3A_410, %dma_wait3A_411] : memref<640x128xf32, #tpu.memory_space<vmem>> -> memref<128x128xf32, #tpu.memory_space<vmem>>
        %dma_wait3A_413 = arith.constant 0 : i32
        %dma_wait3A_414 = tpu.memref_slice %arg6[%dma_wait3A_409, %dma_wait3A_413] : memref<5x128xi32, #tpu.memory_space<vmem>> -> memref<1x128xi32, #tpu.memory_space<vmem>>
        %dma_wait3A_415 = tpu.memref_squeeze %dma_wait3A_414 : memref<1x128xi32, #tpu.memory_space<vmem>> -> memref<128xi32, #tpu.memory_space<vmem>>
        %dma_wait3A_416 = arith.constant 0 : i32
        %dma_wait3A_417 = arith.constant 0 : i32
        %dma_wait3A_418 = tpu.memref_slice %arg5[%dma_wait3A_416, %dma_wait3A_417] : memref<64x128xf32, #tpu.memory_space<vmem_shared>> -> memref<64x128xf32, #tpu.memory_space<vmem_shared>>
        tpu.wait_indirect_dma semaphore(%arg8 : memref<!tpu.dma_semaphore, #tpu.memory_space<semaphore_mem>>) src(%dma_wait3A_418 : memref<64x128xf32, #tpu.memory_space<vmem_shared>>) dst(%dma_wait3A_412 : memref<128x128xf32, #tpu.memory_space<vmem>>)
        %mul3A_419 = arith.constant 128 : i32
        %mul3A_420 = arith.muli %sub3A_299, %mul3A_419 : i32
        %add3A_421 = arith.addi %mul3A_6, %mul3A_420 : i32
        %dma_start3A_422 = arith.constant 0 : i32
        %dma_start3A_423 = arith.constant 0 : i32
        %dma_start3A_424 = tpu.memref_slice %arg7[%dma_start3A_422, %dma_start3A_423] : memref<640x128xf32, #tpu.memory_space<vmem>> -> memref<128x128xf32, #tpu.memory_space<vmem>>
        %dma_start3A_425 = arith.constant 0 : i32
        %dma_start3A_426 = tpu.memref_slice %arg4[%add3A_421, %dma_start3A_425] : memref<819200x128xf32, #tpu.memory_space<hbm>> -> memref<128x128xf32, #tpu.memory_space<hbm>>
        %dma_start3A_427 = arith.constant 0 : i32
        %dma_start3A_428 = tpu.memref_slice %arg4[%add3A_421, %dma_start3A_427] : memref<819200x128xf32, #tpu.memory_space<hbm>> -> memref<128x128xf32, #tpu.memory_space<hbm>>
        %dma_start3A_429 = arith.constant 0 : i32
        %dma_start3A_430 = arith.constant 0 : i32
        %dma_start3A_431 = tpu.memref_slice %arg7[%dma_start3A_429, %dma_start3A_430] : memref<640x128xf32, #tpu.memory_space<vmem>> -> memref<128x128xf32, #tpu.memory_space<vmem>>
        tpu.enqueue_dma source(%dma_start3A_431 : memref<128x128xf32, #tpu.memory_space<vmem>>) target(%dma_start3A_428 : memref<128x128xf32, #tpu.memory_space<hbm>>) target_semaphore(%arg13 : memref<!tpu.dma_semaphore, #tpu.memory_space<semaphore_mem>>)
      } else {
      }
      %ge3A_305 = arith.constant 2 : i32
      %ge3A_306 = arith.cmpi sge, %add3A_269, %ge3A_305 : i32
      %add3A_307 = arith.constant 5 : i32
      %add3A_308 = arith.addi %sub3A_299, %add3A_307 : i32
      %lt3A_309 = arith.constant 200 : i32
      %lt3A_310 = arith.cmpi slt, %add3A_308, %lt3A_309 : i32
      %and3A_311 = arith.andi %ge3A_306, %lt3A_310 : i1
      %convert_element_type3A_312 = arith.extui %and3A_311 : i1 to i32
      %cond3A_313 = arith.constant 0 : i32
      %cond3A_314 = arith.cmpi ne, %convert_element_type3A_312, %cond3A_313 : i32
      scf.if %cond3A_314 {
        %add3A_409 = arith.constant 5 : i32
        %add3A_410 = arith.addi %sub3A_299, %add3A_409 : i32
        %mul3A_411 = arith.constant 1 : i32
        %mul3A_412 = arith.muli %add3A_410, %mul3A_411 : i32
        %add3A_413 = arith.addi %mul3A_4, %mul3A_412 : i32
        %dma_start3A_414 = arith.constant 0 : i32
        %dma_start3A_415 = arith.constant 0 : i32
        %dma_start3A_416 = tpu.memref_slice %arg6[%dma_start3A_414, %dma_start3A_415] : memref<5x128xi32, #tpu.memory_space<vmem>> -> memref<1x128xi32, #tpu.memory_space<vmem>>
        %dma_start3A_417 = arith.constant 0 : i32
        %dma_start3A_418 = tpu.memref_slice %arg2[%add3A_413, %dma_start3A_417] : memref<6400x128xi32, #tpu.memory_space<hbm>> -> memref<1x128xi32, #tpu.memory_space<hbm>>
        %dma_start3A_419 = arith.constant 0 : i32
        %dma_start3A_420 = arith.constant 0 : i32
        %dma_start3A_421 = tpu.memref_slice %arg6[%dma_start3A_419, %dma_start3A_420] : memref<5x128xi32, #tpu.memory_space<vmem>> -> memref<1x128xi32, #tpu.memory_space<vmem>>
        %dma_start3A_422 = arith.constant 0 : i32
        %dma_start3A_423 = tpu.memref_slice %arg2[%add3A_413, %dma_start3A_422] : memref<6400x128xi32, #tpu.memory_space<hbm>> -> memref<1x128xi32, #tpu.memory_space<hbm>>
        tpu.enqueue_dma source(%dma_start3A_423 : memref<1x128xi32, #tpu.memory_space<hbm>>) target(%dma_start3A_421 : memref<1x128xi32, #tpu.memory_space<vmem>>) target_semaphore(%arg18 : memref<!tpu.dma_semaphore, #tpu.memory_space<semaphore_mem>>)
      } else {
      }
      %add3A_315 = arith.constant 3 : i32
      %add3A_316 = arith.addi %mul3A_178, %add3A_315 : i32
      %gt3A_317 = arith.constant 0 : i32
      %gt3A_318 = arith.cmpi sgt, %scan3A_176, %gt3A_317 : i32
      %convert_element_type3A_319 = arith.extui %gt3A_318 : i1 to i32
      %cond3A_320 = arith.constant 0 : i32
      %cond3A_321 = arith.cmpi ne, %convert_element_type3A_319, %cond3A_320 : i32
      scf.if %cond3A_321 {
        %sub3A_409 = arith.constant 5 : i32
        %sub3A_410 = arith.subi %add3A_316, %sub3A_409 : i32
        %mul3A_411 = arith.constant 128 : i32
        %mul3A_412 = arith.muli %sub3A_410, %mul3A_411 : i32
        %add3A_413 = arith.addi %mul3A_6, %mul3A_412 : i32
        %dma_wait3A_414 = arith.constant 384 : i32
        %dma_wait3A_415 = arith.constant 0 : i32
        %dma_wait3A_416 = tpu.memref_slice %arg7[%dma_wait3A_414, %dma_wait3A_415] : memref<640x128xf32, #tpu.memory_space<vmem>> -> memref<128x128xf32, #tpu.memory_space<vmem>>
        %dma_wait3A_417 = arith.constant 0 : i32
        %dma_wait3A_418 = tpu.memref_slice %arg4[%add3A_413, %dma_wait3A_417] : memref<819200x128xf32, #tpu.memory_space<hbm>> -> memref<128x128xf32, #tpu.memory_space<hbm>>
        %dma_wait3A_419 = arith.constant 0 : i32
        %dma_wait3A_420 = tpu.memref_slice %arg4[%add3A_413, %dma_wait3A_419] : memref<819200x128xf32, #tpu.memory_space<hbm>> -> memref<128x128xf32, #tpu.memory_space<hbm>>
        %dma_wait3A_421 = arith.constant 384 : i32
        %dma_wait3A_422 = arith.constant 0 : i32
        %dma_wait3A_423 = tpu.memref_slice %arg7[%dma_wait3A_421, %dma_wait3A_422] : memref<640x128xf32, #tpu.memory_space<vmem>> -> memref<128x128xf32, #tpu.memory_space<vmem>>
        tpu.wait_dma2 semaphore(%arg16 : memref<!tpu.dma_semaphore, #tpu.memory_space<semaphore_mem>>) src(%dma_wait3A_423 : memref<128x128xf32, #tpu.memory_space<vmem>>) dst(%dma_wait3A_420 : memref<128x128xf32, #tpu.memory_space<hbm>>)
      } else {
      }
      %mul3A_322 = arith.constant 1 : i32
      %mul3A_323 = arith.muli %add3A_316, %mul3A_322 : i32
      %add3A_324 = arith.addi %mul3A_4, %mul3A_323 : i32
      %dma_wait3A_325 = arith.constant 3 : i32
      %dma_wait3A_326 = arith.constant 0 : i32
      %dma_wait3A_327 = tpu.memref_slice %arg6[%dma_wait3A_325, %dma_wait3A_326] : memref<5x128xi32, #tpu.memory_space<vmem>> -> memref<1x128xi32, #tpu.memory_space<vmem>>
      %dma_wait3A_328 = arith.constant 0 : i32
      %dma_wait3A_329 = tpu.memref_slice %arg2[%add3A_324, %dma_wait3A_328] : memref<6400x128xi32, #tpu.memory_space<hbm>> -> memref<1x128xi32, #tpu.memory_space<hbm>>
      %dma_wait3A_330 = arith.constant 3 : i32
      %dma_wait3A_331 = arith.constant 0 : i32
      %dma_wait3A_332 = tpu.memref_slice %arg6[%dma_wait3A_330, %dma_wait3A_331] : memref<5x128xi32, #tpu.memory_space<vmem>> -> memref<1x128xi32, #tpu.memory_space<vmem>>
      %dma_wait3A_333 = arith.constant 0 : i32
      %dma_wait3A_334 = tpu.memref_slice %arg2[%add3A_324, %dma_wait3A_333] : memref<6400x128xi32, #tpu.memory_space<hbm>> -> memref<1x128xi32, #tpu.memory_space<hbm>>
      tpu.wait_dma2 semaphore(%arg21 : memref<!tpu.dma_semaphore, #tpu.memory_space<semaphore_mem>>) src(%dma_wait3A_334 : memref<1x128xi32, #tpu.memory_space<hbm>>) dst(%dma_wait3A_332 : memref<1x128xi32, #tpu.memory_space<vmem>>)
      %dma_start3A_335 = arith.constant 3 : i32
      %dma_start3A_336 = arith.constant 384 : i32
      %dma_start3A_337 = arith.constant 0 : i32
      %dma_start3A_338 = tpu.memref_slice %arg7[%dma_start3A_336, %dma_start3A_337] : memref<640x128xf32, #tpu.memory_space<vmem>> -> memref<128x128xf32, #tpu.memory_space<vmem>>
      %dma_start3A_339 = arith.constant 0 : i32
      %dma_start3A_340 = tpu.memref_slice %arg6[%dma_start3A_335, %dma_start3A_339] : memref<5x128xi32, #tpu.memory_space<vmem>> -> memref<1x128xi32, #tpu.memory_space<vmem>>
      %dma_start3A_341 = tpu.memref_squeeze %dma_start3A_340 : memref<1x128xi32, #tpu.memory_space<vmem>> -> memref<128xi32, #tpu.memory_space<vmem>>
      %dma_start3A_342 = arith.constant 0 : i32
      %dma_start3A_343 = arith.constant 0 : i32
      %dma_start3A_344 = tpu.memref_slice %arg5[%dma_start3A_342, %dma_start3A_343] : memref<64x128xf32, #tpu.memory_space<vmem_shared>> -> memref<64x128xf32, #tpu.memory_space<vmem_shared>>
      tpu.enqueue_indirect_dma source(%dma_start3A_344 : memref<64x128xf32, #tpu.memory_space<vmem_shared>>) target(%dma_start3A_338 : memref<128x128xf32, #tpu.memory_space<vmem>>) offsets(%dma_start3A_341 : memref<128xi32, #tpu.memory_space<vmem>>) semaphore(%arg11 : memref<!tpu.dma_semaphore, #tpu.memory_space<semaphore_mem>>)
      %sub3A_345 = arith.constant 2 : i32
      %sub3A_346 = arith.subi %add3A_316, %sub3A_345 : i32
      %ge3A_347 = arith.constant 2 : i32
      %ge3A_348 = arith.cmpi sge, %add3A_316, %ge3A_347 : i32
      %convert_element_type3A_349 = arith.extui %ge3A_348 : i1 to i32
      %cond3A_350 = arith.constant 0 : i32
      %cond3A_351 = arith.cmpi ne, %convert_element_type3A_349, %cond3A_350 : i32
      scf.if %cond3A_351 {
        %dma_wait3A_409 = arith.constant 1 : i32
        %dma_wait3A_410 = arith.constant 128 : i32
        %dma_wait3A_411 = arith.constant 0 : i32
        %dma_wait3A_412 = tpu.memref_slice %arg7[%dma_wait3A_410, %dma_wait3A_411] : memref<640x128xf32, #tpu.memory_space<vmem>> -> memref<128x128xf32, #tpu.memory_space<vmem>>
        %dma_wait3A_413 = arith.constant 0 : i32
        %dma_wait3A_414 = tpu.memref_slice %arg6[%dma_wait3A_409, %dma_wait3A_413] : memref<5x128xi32, #tpu.memory_space<vmem>> -> memref<1x128xi32, #tpu.memory_space<vmem>>
        %dma_wait3A_415 = tpu.memref_squeeze %dma_wait3A_414 : memref<1x128xi32, #tpu.memory_space<vmem>> -> memref<128xi32, #tpu.memory_space<vmem>>
        %dma_wait3A_416 = arith.constant 0 : i32
        %dma_wait3A_417 = arith.constant 0 : i32
        %dma_wait3A_418 = tpu.memref_slice %arg5[%dma_wait3A_416, %dma_wait3A_417] : memref<64x128xf32, #tpu.memory_space<vmem_shared>> -> memref<64x128xf32, #tpu.memory_space<vmem_shared>>
        tpu.wait_indirect_dma semaphore(%arg9 : memref<!tpu.dma_semaphore, #tpu.memory_space<semaphore_mem>>) src(%dma_wait3A_418 : memref<64x128xf32, #tpu.memory_space<vmem_shared>>) dst(%dma_wait3A_412 : memref<128x128xf32, #tpu.memory_space<vmem>>)
        %mul3A_419 = arith.constant 128 : i32
        %mul3A_420 = arith.muli %sub3A_346, %mul3A_419 : i32
        %add3A_421 = arith.addi %mul3A_6, %mul3A_420 : i32
        %dma_start3A_422 = arith.constant 128 : i32
        %dma_start3A_423 = arith.constant 0 : i32
        %dma_start3A_424 = tpu.memref_slice %arg7[%dma_start3A_422, %dma_start3A_423] : memref<640x128xf32, #tpu.memory_space<vmem>> -> memref<128x128xf32, #tpu.memory_space<vmem>>
        %dma_start3A_425 = arith.constant 0 : i32
        %dma_start3A_426 = tpu.memref_slice %arg4[%add3A_421, %dma_start3A_425] : memref<819200x128xf32, #tpu.memory_space<hbm>> -> memref<128x128xf32, #tpu.memory_space<hbm>>
        %dma_start3A_427 = arith.constant 0 : i32
        %dma_start3A_428 = tpu.memref_slice %arg4[%add3A_421, %dma_start3A_427] : memref<819200x128xf32, #tpu.memory_space<hbm>> -> memref<128x128xf32, #tpu.memory_space<hbm>>
        %dma_start3A_429 = arith.constant 128 : i32
        %dma_start3A_430 = arith.constant 0 : i32
        %dma_start3A_431 = tpu.memref_slice %arg7[%dma_start3A_429, %dma_start3A_430] : memref<640x128xf32, #tpu.memory_space<vmem>> -> memref<128x128xf32, #tpu.memory_space<vmem>>
        tpu.enqueue_dma source(%dma_start3A_431 : memref<128x128xf32, #tpu.memory_space<vmem>>) target(%dma_start3A_428 : memref<128x128xf32, #tpu.memory_space<hbm>>) target_semaphore(%arg14 : memref<!tpu.dma_semaphore, #tpu.memory_space<semaphore_mem>>)
      } else {
      }
      %ge3A_352 = arith.constant 2 : i32
      %ge3A_353 = arith.cmpi sge, %add3A_316, %ge3A_352 : i32
      %add3A_354 = arith.constant 5 : i32
      %add3A_355 = arith.addi %sub3A_346, %add3A_354 : i32
      %lt3A_356 = arith.constant 200 : i32
      %lt3A_357 = arith.cmpi slt, %add3A_355, %lt3A_356 : i32
      %and3A_358 = arith.andi %ge3A_353, %lt3A_357 : i1
      %convert_element_type3A_359 = arith.extui %and3A_358 : i1 to i32
      %cond3A_360 = arith.constant 0 : i32
      %cond3A_361 = arith.cmpi ne, %convert_element_type3A_359, %cond3A_360 : i32
      scf.if %cond3A_361 {
        %add3A_409 = arith.constant 5 : i32
        %add3A_410 = arith.addi %sub3A_346, %add3A_409 : i32
        %mul3A_411 = arith.constant 1 : i32
        %mul3A_412 = arith.muli %add3A_410, %mul3A_411 : i32
        %add3A_413 = arith.addi %mul3A_4, %mul3A_412 : i32
        %dma_start3A_414 = arith.constant 1 : i32
        %dma_start3A_415 = arith.constant 0 : i32
        %dma_start3A_416 = tpu.memref_slice %arg6[%dma_start3A_414, %dma_start3A_415] : memref<5x128xi32, #tpu.memory_space<vmem>> -> memref<1x128xi32, #tpu.memory_space<vmem>>
        %dma_start3A_417 = arith.constant 0 : i32
        %dma_start3A_418 = tpu.memref_slice %arg2[%add3A_413, %dma_start3A_417] : memref<6400x128xi32, #tpu.memory_space<hbm>> -> memref<1x128xi32, #tpu.memory_space<hbm>>
        %dma_start3A_419 = arith.constant 1 : i32
        %dma_start3A_420 = arith.constant 0 : i32
        %dma_start3A_421 = tpu.memref_slice %arg6[%dma_start3A_419, %dma_start3A_420] : memref<5x128xi32, #tpu.memory_space<vmem>> -> memref<1x128xi32, #tpu.memory_space<vmem>>
        %dma_start3A_422 = arith.constant 0 : i32
        %dma_start3A_423 = tpu.memref_slice %arg2[%add3A_413, %dma_start3A_422] : memref<6400x128xi32, #tpu.memory_space<hbm>> -> memref<1x128xi32, #tpu.memory_space<hbm>>
        tpu.enqueue_dma source(%dma_start3A_423 : memref<1x128xi32, #tpu.memory_space<hbm>>) target(%dma_start3A_421 : memref<1x128xi32, #tpu.memory_space<vmem>>) target_semaphore(%arg19 : memref<!tpu.dma_semaphore, #tpu.memory_space<semaphore_mem>>)
      } else {
      }
      %add3A_362 = arith.constant 4 : i32
      %add3A_363 = arith.addi %mul3A_178, %add3A_362 : i32
      %gt3A_364 = arith.constant 0 : i32
      %gt3A_365 = arith.cmpi sgt, %scan3A_176, %gt3A_364 : i32
      %convert_element_type3A_366 = arith.extui %gt3A_365 : i1 to i32
      %cond3A_367 = arith.constant 0 : i32
      %cond3A_368 = arith.cmpi ne, %convert_element_type3A_366, %cond3A_367 : i32
      scf.if %cond3A_368 {
        %sub3A_409 = arith.constant 5 : i32
        %sub3A_410 = arith.subi %add3A_363, %sub3A_409 : i32
        %mul3A_411 = arith.constant 128 : i32
        %mul3A_412 = arith.muli %sub3A_410, %mul3A_411 : i32
        %add3A_413 = arith.addi %mul3A_6, %mul3A_412 : i32
        %dma_wait3A_414 = arith.constant 512 : i32
        %dma_wait3A_415 = arith.constant 0 : i32
        %dma_wait3A_416 = tpu.memref_slice %arg7[%dma_wait3A_414, %dma_wait3A_415] : memref<640x128xf32, #tpu.memory_space<vmem>> -> memref<128x128xf32, #tpu.memory_space<vmem>>
        %dma_wait3A_417 = arith.constant 0 : i32
        %dma_wait3A_418 = tpu.memref_slice %arg4[%add3A_413, %dma_wait3A_417] : memref<819200x128xf32, #tpu.memory_space<hbm>> -> memref<128x128xf32, #tpu.memory_space<hbm>>
        %dma_wait3A_419 = arith.constant 0 : i32
        %dma_wait3A_420 = tpu.memref_slice %arg4[%add3A_413, %dma_wait3A_419] : memref<819200x128xf32, #tpu.memory_space<hbm>> -> memref<128x128xf32, #tpu.memory_space<hbm>>
        %dma_wait3A_421 = arith.constant 512 : i32
        %dma_wait3A_422 = arith.constant 0 : i32
        %dma_wait3A_423 = tpu.memref_slice %arg7[%dma_wait3A_421, %dma_wait3A_422] : memref<640x128xf32, #tpu.memory_space<vmem>> -> memref<128x128xf32, #tpu.memory_space<vmem>>
        tpu.wait_dma2 semaphore(%arg17 : memref<!tpu.dma_semaphore, #tpu.memory_space<semaphore_mem>>) src(%dma_wait3A_423 : memref<128x128xf32, #tpu.memory_space<vmem>>) dst(%dma_wait3A_420 : memref<128x128xf32, #tpu.memory_space<hbm>>)
      } else {
      }
      %mul3A_369 = arith.constant 1 : i32
      %mul3A_370 = arith.muli %add3A_363, %mul3A_369 : i32
      %add3A_371 = arith.addi %mul3A_4, %mul3A_370 : i32
      %dma_wait3A_372 = arith.constant 4 : i32
      %dma_wait3A_373 = arith.constant 0 : i32
      %dma_wait3A_374 = tpu.memref_slice %arg6[%dma_wait3A_372, %dma_wait3A_373] : memref<5x128xi32, #tpu.memory_space<vmem>> -> memref<1x128xi32, #tpu.memory_space<vmem>>
      %dma_wait3A_375 = arith.constant 0 : i32
      %dma_wait3A_376 = tpu.memref_slice %arg2[%add3A_371, %dma_wait3A_375] : memref<6400x128xi32, #tpu.memory_space<hbm>> -> memref<1x128xi32, #tpu.memory_space<hbm>>
      %dma_wait3A_377 = arith.constant 4 : i32
      %dma_wait3A_378 = arith.constant 0 : i32
      %dma_wait3A_379 = tpu.memref_slice %arg6[%dma_wait3A_377, %dma_wait3A_378] : memref<5x128xi32, #tpu.memory_space<vmem>> -> memref<1x128xi32, #tpu.memory_space<vmem>>
      %dma_wait3A_380 = arith.constant 0 : i32
      %dma_wait3A_381 = tpu.memref_slice %arg2[%add3A_371, %dma_wait3A_380] : memref<6400x128xi32, #tpu.memory_space<hbm>> -> memref<1x128xi32, #tpu.memory_space<hbm>>
      tpu.wait_dma2 semaphore(%arg22 : memref<!tpu.dma_semaphore, #tpu.memory_space<semaphore_mem>>) src(%dma_wait3A_381 : memref<1x128xi32, #tpu.memory_space<hbm>>) dst(%dma_wait3A_379 : memref<1x128xi32, #tpu.memory_space<vmem>>)
      %dma_start3A_382 = arith.constant 4 : i32
      %dma_start3A_383 = arith.constant 512 : i32
      %dma_start3A_384 = arith.constant 0 : i32
      %dma_start3A_385 = tpu.memref_slice %arg7[%dma_start3A_383, %dma_start3A_384] : memref<640x128xf32, #tpu.memory_space<vmem>> -> memref<128x128xf32, #tpu.memory_space<vmem>>
      %dma_start3A_386 = arith.constant 0 : i32
      %dma_start3A_387 = tpu.memref_slice %arg6[%dma_start3A_382, %dma_start3A_386] : memref<5x128xi32, #tpu.memory_space<vmem>> -> memref<1x128xi32, #tpu.memory_space<vmem>>
      %dma_start3A_388 = tpu.memref_squeeze %dma_start3A_387 : memref<1x128xi32, #tpu.memory_space<vmem>> -> memref<128xi32, #tpu.memory_space<vmem>>
      %dma_start3A_389 = arith.constant 0 : i32
      %dma_start3A_390 = arith.constant 0 : i32
      %dma_start3A_391 = tpu.memref_slice %arg5[%dma_start3A_389, %dma_start3A_390] : memref<64x128xf32, #tpu.memory_space<vmem_shared>> -> memref<64x128xf32, #tpu.memory_space<vmem_shared>>
      tpu.enqueue_indirect_dma source(%dma_start3A_391 : memref<64x128xf32, #tpu.memory_space<vmem_shared>>) target(%dma_start3A_385 : memref<128x128xf32, #tpu.memory_space<vmem>>) offsets(%dma_start3A_388 : memref<128xi32, #tpu.memory_space<vmem>>) semaphore(%arg12 : memref<!tpu.dma_semaphore, #tpu.memory_space<semaphore_mem>>)
      %sub3A_392 = arith.constant 2 : i32
      %sub3A_393 = arith.subi %add3A_363, %sub3A_392 : i32
      %ge3A_394 = arith.constant 2 : i32
      %ge3A_395 = arith.cmpi sge, %add3A_363, %ge3A_394 : i32
      %convert_element_type3A_396 = arith.extui %ge3A_395 : i1 to i32
      %cond3A_397 = arith.constant 0 : i32
      %cond3A_398 = arith.cmpi ne, %convert_element_type3A_396, %cond3A_397 : i32
      scf.if %cond3A_398 {
        %dma_wait3A_409 = arith.constant 2 : i32
        %dma_wait3A_410 = arith.constant 256 : i32
        %dma_wait3A_411 = arith.constant 0 : i32
        %dma_wait3A_412 = tpu.memref_slice %arg7[%dma_wait3A_410, %dma_wait3A_411] : memref<640x128xf32, #tpu.memory_space<vmem>> -> memref<128x128xf32, #tpu.memory_space<vmem>>
        %dma_wait3A_413 = arith.constant 0 : i32
        %dma_wait3A_414 = tpu.memref_slice %arg6[%dma_wait3A_409, %dma_wait3A_413] : memref<5x128xi32, #tpu.memory_space<vmem>> -> memref<1x128xi32, #tpu.memory_space<vmem>>
        %dma_wait3A_415 = tpu.memref_squeeze %dma_wait3A_414 : memref<1x128xi32, #tpu.memory_space<vmem>> -> memref<128xi32, #tpu.memory_space<vmem>>
        %dma_wait3A_416 = arith.constant 0 : i32
        %dma_wait3A_417 = arith.constant 0 : i32
        %dma_wait3A_418 = tpu.memref_slice %arg5[%dma_wait3A_416, %dma_wait3A_417] : memref<64x128xf32, #tpu.memory_space<vmem_shared>> -> memref<64x128xf32, #tpu.memory_space<vmem_shared>>
        tpu.wait_indirect_dma semaphore(%arg10 : memref<!tpu.dma_semaphore, #tpu.memory_space<semaphore_mem>>) src(%dma_wait3A_418 : memref<64x128xf32, #tpu.memory_space<vmem_shared>>) dst(%dma_wait3A_412 : memref<128x128xf32, #tpu.memory_space<vmem>>)
        %mul3A_419 = arith.constant 128 : i32
        %mul3A_420 = arith.muli %sub3A_393, %mul3A_419 : i32
        %add3A_421 = arith.addi %mul3A_6, %mul3A_420 : i32
        %dma_start3A_422 = arith.constant 256 : i32
        %dma_start3A_423 = arith.constant 0 : i32
        %dma_start3A_424 = tpu.memref_slice %arg7[%dma_start3A_422, %dma_start3A_423] : memref<640x128xf32, #tpu.memory_space<vmem>> -> memref<128x128xf32, #tpu.memory_space<vmem>>
        %dma_start3A_425 = arith.constant 0 : i32
        %dma_start3A_426 = tpu.memref_slice %arg4[%add3A_421, %dma_start3A_425] : memref<819200x128xf32, #tpu.memory_space<hbm>> -> memref<128x128xf32, #tpu.memory_space<hbm>>
        %dma_start3A_427 = arith.constant 0 : i32
        %dma_start3A_428 = tpu.memref_slice %arg4[%add3A_421, %dma_start3A_427] : memref<819200x128xf32, #tpu.memory_space<hbm>> -> memref<128x128xf32, #tpu.memory_space<hbm>>
        %dma_start3A_429 = arith.constant 256 : i32
        %dma_start3A_430 = arith.constant 0 : i32
        %dma_start3A_431 = tpu.memref_slice %arg7[%dma_start3A_429, %dma_start3A_430] : memref<640x128xf32, #tpu.memory_space<vmem>> -> memref<128x128xf32, #tpu.memory_space<vmem>>
        tpu.enqueue_dma source(%dma_start3A_431 : memref<128x128xf32, #tpu.memory_space<vmem>>) target(%dma_start3A_428 : memref<128x128xf32, #tpu.memory_space<hbm>>) target_semaphore(%arg15 : memref<!tpu.dma_semaphore, #tpu.memory_space<semaphore_mem>>)
      } else {
      }
      %ge3A_399 = arith.constant 2 : i32
      %ge3A_400 = arith.cmpi sge, %add3A_363, %ge3A_399 : i32
      %add3A_401 = arith.constant 5 : i32
      %add3A_402 = arith.addi %sub3A_393, %add3A_401 : i32
      %lt3A_403 = arith.constant 200 : i32
      %lt3A_404 = arith.cmpi slt, %add3A_402, %lt3A_403 : i32
      %and3A_405 = arith.andi %ge3A_400, %lt3A_404 : i1
      %convert_element_type3A_406 = arith.extui %and3A_405 : i1 to i32
      %cond3A_407 = arith.constant 0 : i32
      %cond3A_408 = arith.cmpi ne, %convert_element_type3A_406, %cond3A_407 : i32
      scf.if %cond3A_408 {
        %add3A_409 = arith.constant 5 : i32
        %add3A_410 = arith.addi %sub3A_393, %add3A_409 : i32
        %mul3A_411 = arith.constant 1 : i32
        %mul3A_412 = arith.muli %add3A_410, %mul3A_411 : i32
        %add3A_413 = arith.addi %mul3A_4, %mul3A_412 : i32
        %dma_start3A_414 = arith.constant 2 : i32
        %dma_start3A_415 = arith.constant 0 : i32
        %dma_start3A_416 = tpu.memref_slice %arg6[%dma_start3A_414, %dma_start3A_415] : memref<5x128xi32, #tpu.memory_space<vmem>> -> memref<1x128xi32, #tpu.memory_space<vmem>>
        %dma_start3A_417 = arith.constant 0 : i32
        %dma_start3A_418 = tpu.memref_slice %arg2[%add3A_413, %dma_start3A_417] : memref<6400x128xi32, #tpu.memory_space<hbm>> -> memref<1x128xi32, #tpu.memory_space<hbm>>
        %dma_start3A_419 = arith.constant 2 : i32
        %dma_start3A_420 = arith.constant 0 : i32
        %dma_start3A_421 = tpu.memref_slice %arg6[%dma_start3A_419, %dma_start3A_420] : memref<5x128xi32, #tpu.memory_space<vmem>> -> memref<1x128xi32, #tpu.memory_space<vmem>>
        %dma_start3A_422 = arith.constant 0 : i32
        %dma_start3A_423 = tpu.memref_slice %arg2[%add3A_413, %dma_start3A_422] : memref<6400x128xi32, #tpu.memory_space<hbm>> -> memref<1x128xi32, #tpu.memory_space<hbm>>
        tpu.enqueue_dma source(%dma_start3A_423 : memref<1x128xi32, #tpu.memory_space<hbm>>) target(%dma_start3A_421 : memref<1x128xi32, #tpu.memory_space<vmem>>) target_semaphore(%arg20 : memref<!tpu.dma_semaphore, #tpu.memory_space<semaphore_mem>>)
      } else {
      }
    }
    %scan3A_72 = arith.constant 40 : i32
    %dma_wait3A = arith.constant 3 : i32
    %dma_wait3A_73 = arith.constant 384 : i32
    %dma_wait3A_74 = arith.constant 0 : i32
    %dma_wait3A_75 = tpu.memref_slice %arg7[%dma_wait3A_73, %dma_wait3A_74] : memref<640x128xf32, #tpu.memory_space<vmem>> -> memref<128x128xf32, #tpu.memory_space<vmem>>
    %dma_wait3A_76 = arith.constant 0 : i32
    %dma_wait3A_77 = tpu.memref_slice %arg6[%dma_wait3A, %dma_wait3A_76] : memref<5x128xi32, #tpu.memory_space<vmem>> -> memref<1x128xi32, #tpu.memory_space<vmem>>
    %dma_wait3A_78 = tpu.memref_squeeze %dma_wait3A_77 : memref<1x128xi32, #tpu.memory_space<vmem>> -> memref<128xi32, #tpu.memory_space<vmem>>
    %dma_wait3A_79 = arith.constant 0 : i32
    %dma_wait3A_80 = arith.constant 0 : i32
    %dma_wait3A_81 = tpu.memref_slice %arg5[%dma_wait3A_79, %dma_wait3A_80] : memref<64x128xf32, #tpu.memory_space<vmem_shared>> -> memref<64x128xf32, #tpu.memory_space<vmem_shared>>
    tpu.wait_indirect_dma semaphore(%arg11 : memref<!tpu.dma_semaphore, #tpu.memory_space<semaphore_mem>>) src(%dma_wait3A_81 : memref<64x128xf32, #tpu.memory_space<vmem_shared>>) dst(%dma_wait3A_75 : memref<128x128xf32, #tpu.memory_space<vmem>>)
    %add3A_82 = arith.constant 25344 : i32
    %add3A_83 = arith.addi %mul3A_6, %add3A_82 : i32
    %dma_start3A_84 = arith.constant 384 : i32
    %dma_start3A_85 = arith.constant 0 : i32
    %dma_start3A_86 = tpu.memref_slice %arg7[%dma_start3A_84, %dma_start3A_85] : memref<640x128xf32, #tpu.memory_space<vmem>> -> memref<128x128xf32, #tpu.memory_space<vmem>>
    %dma_start3A_87 = arith.constant 0 : i32
    %dma_start3A_88 = tpu.memref_slice %arg4[%add3A_83, %dma_start3A_87] : memref<819200x128xf32, #tpu.memory_space<hbm>> -> memref<128x128xf32, #tpu.memory_space<hbm>>
    %dma_start3A_89 = arith.constant 0 : i32
    %dma_start3A_90 = tpu.memref_slice %arg4[%add3A_83, %dma_start3A_89] : memref<819200x128xf32, #tpu.memory_space<hbm>> -> memref<128x128xf32, #tpu.memory_space<hbm>>
    %dma_start3A_91 = arith.constant 384 : i32
    %dma_start3A_92 = arith.constant 0 : i32
    %dma_start3A_93 = tpu.memref_slice %arg7[%dma_start3A_91, %dma_start3A_92] : memref<640x128xf32, #tpu.memory_space<vmem>> -> memref<128x128xf32, #tpu.memory_space<vmem>>
    tpu.enqueue_dma source(%dma_start3A_93 : memref<128x128xf32, #tpu.memory_space<vmem>>) target(%dma_start3A_90 : memref<128x128xf32, #tpu.memory_space<hbm>>) target_semaphore(%arg16 : memref<!tpu.dma_semaphore, #tpu.memory_space<semaphore_mem>>)
    %dma_wait3A_94 = arith.constant 4 : i32
    %dma_wait3A_95 = arith.constant 512 : i32
    %dma_wait3A_96 = arith.constant 0 : i32
    %dma_wait3A_97 = tpu.memref_slice %arg7[%dma_wait3A_95, %dma_wait3A_96] : memref<640x128xf32, #tpu.memory_space<vmem>> -> memref<128x128xf32, #tpu.memory_space<vmem>>
    %dma_wait3A_98 = arith.constant 0 : i32
    %dma_wait3A_99 = tpu.memref_slice %arg6[%dma_wait3A_94, %dma_wait3A_98] : memref<5x128xi32, #tpu.memory_space<vmem>> -> memref<1x128xi32, #tpu.memory_space<vmem>>
    %dma_wait3A_100 = tpu.memref_squeeze %dma_wait3A_99 : memref<1x128xi32, #tpu.memory_space<vmem>> -> memref<128xi32, #tpu.memory_space<vmem>>
    %dma_wait3A_101 = arith.constant 0 : i32
    %dma_wait3A_102 = arith.constant 0 : i32
    %dma_wait3A_103 = tpu.memref_slice %arg5[%dma_wait3A_101, %dma_wait3A_102] : memref<64x128xf32, #tpu.memory_space<vmem_shared>> -> memref<64x128xf32, #tpu.memory_space<vmem_shared>>
    tpu.wait_indirect_dma semaphore(%arg12 : memref<!tpu.dma_semaphore, #tpu.memory_space<semaphore_mem>>) src(%dma_wait3A_103 : memref<64x128xf32, #tpu.memory_space<vmem_shared>>) dst(%dma_wait3A_97 : memref<128x128xf32, #tpu.memory_space<vmem>>)
    %add3A_104 = arith.constant 25472 : i32
    %add3A_105 = arith.addi %mul3A_6, %add3A_104 : i32
    %dma_start3A_106 = arith.constant 512 : i32
    %dma_start3A_107 = arith.constant 0 : i32
    %dma_start3A_108 = tpu.memref_slice %arg7[%dma_start3A_106, %dma_start3A_107] : memref<640x128xf32, #tpu.memory_space<vmem>> -> memref<128x128xf32, #tpu.memory_space<vmem>>
    %dma_start3A_109 = arith.constant 0 : i32
    %dma_start3A_110 = tpu.memref_slice %arg4[%add3A_105, %dma_start3A_109] : memref<819200x128xf32, #tpu.memory_space<hbm>> -> memref<128x128xf32, #tpu.memory_space<hbm>>
    %dma_start3A_111 = arith.constant 0 : i32
    %dma_start3A_112 = tpu.memref_slice %arg4[%add3A_105, %dma_start3A_111] : memref<819200x128xf32, #tpu.memory_space<hbm>> -> memref<128x128xf32, #tpu.memory_space<hbm>>
    %dma_start3A_113 = arith.constant 512 : i32
    %dma_start3A_114 = arith.constant 0 : i32
    %dma_start3A_115 = tpu.memref_slice %arg7[%dma_start3A_113, %dma_start3A_114] : memref<640x128xf32, #tpu.memory_space<vmem>> -> memref<128x128xf32, #tpu.memory_space<vmem>>
    tpu.enqueue_dma source(%dma_start3A_115 : memref<128x128xf32, #tpu.memory_space<vmem>>) target(%dma_start3A_112 : memref<128x128xf32, #tpu.memory_space<hbm>>) target_semaphore(%arg17 : memref<!tpu.dma_semaphore, #tpu.memory_space<semaphore_mem>>)
    %add3A_116 = arith.constant 24960 : i32
    %add3A_117 = arith.addi %mul3A_6, %add3A_116 : i32
    %dma_wait3A_118 = arith.constant 0 : i32
    %dma_wait3A_119 = arith.constant 0 : i32
    %dma_wait3A_120 = tpu.memref_slice %arg7[%dma_wait3A_118, %dma_wait3A_119] : memref<640x128xf32, #tpu.memory_space<vmem>> -> memref<128x128xf32, #tpu.memory_space<vmem>>
    %dma_wait3A_121 = arith.constant 0 : i32
    %dma_wait3A_122 = tpu.memref_slice %arg4[%add3A_117, %dma_wait3A_121] : memref<819200x128xf32, #tpu.memory_space<hbm>> -> memref<128x128xf32, #tpu.memory_space<hbm>>
    %dma_wait3A_123 = arith.constant 0 : i32
    %dma_wait3A_124 = tpu.memref_slice %arg4[%add3A_117, %dma_wait3A_123] : memref<819200x128xf32, #tpu.memory_space<hbm>> -> memref<128x128xf32, #tpu.memory_space<hbm>>
    %dma_wait3A_125 = arith.constant 0 : i32
    %dma_wait3A_126 = arith.constant 0 : i32
    %dma_wait3A_127 = tpu.memref_slice %arg7[%dma_wait3A_125, %dma_wait3A_126] : memref<640x128xf32, #tpu.memory_space<vmem>> -> memref<128x128xf32, #tpu.memory_space<vmem>>
    tpu.wait_dma2 semaphore(%arg13 : memref<!tpu.dma_semaphore, #tpu.memory_space<semaphore_mem>>) src(%dma_wait3A_127 : memref<128x128xf32, #tpu.memory_space<vmem>>) dst(%dma_wait3A_124 : memref<128x128xf32, #tpu.memory_space<hbm>>)
    %add3A_128 = arith.constant 25088 : i32
    %add3A_129 = arith.addi %mul3A_6, %add3A_128 : i32
    %dma_wait3A_130 = arith.constant 128 : i32
    %dma_wait3A_131 = arith.constant 0 : i32
    %dma_wait3A_132 = tpu.memref_slice %arg7[%dma_wait3A_130, %dma_wait3A_131] : memref<640x128xf32, #tpu.memory_space<vmem>> -> memref<128x128xf32, #tpu.memory_space<vmem>>
    %dma_wait3A_133 = arith.constant 0 : i32
    %dma_wait3A_134 = tpu.memref_slice %arg4[%add3A_129, %dma_wait3A_133] : memref<819200x128xf32, #tpu.memory_space<hbm>> -> memref<128x128xf32, #tpu.memory_space<hbm>>
    %dma_wait3A_135 = arith.constant 0 : i32
    %dma_wait3A_136 = tpu.memref_slice %arg4[%add3A_129, %dma_wait3A_135] : memref<819200x128xf32, #tpu.memory_space<hbm>> -> memref<128x128xf32, #tpu.memory_space<hbm>>
    %dma_wait3A_137 = arith.constant 128 : i32
    %dma_wait3A_138 = arith.constant 0 : i32
    %dma_wait3A_139 = tpu.memref_slice %arg7[%dma_wait3A_137, %dma_wait3A_138] : memref<640x128xf32, #tpu.memory_space<vmem>> -> memref<128x128xf32, #tpu.memory_space<vmem>>
    tpu.wait_dma2 semaphore(%arg14 : memref<!tpu.dma_semaphore, #tpu.memory_space<semaphore_mem>>) src(%dma_wait3A_139 : memref<128x128xf32, #tpu.memory_space<vmem>>) dst(%dma_wait3A_136 : memref<128x128xf32, #tpu.memory_space<hbm>>)
    %add3A_140 = arith.constant 25216 : i32
    %add3A_141 = arith.addi %mul3A_6, %add3A_140 : i32
    %dma_wait3A_142 = arith.constant 256 : i32
    %dma_wait3A_143 = arith.constant 0 : i32
    %dma_wait3A_144 = tpu.memref_slice %arg7[%dma_wait3A_142, %dma_wait3A_143] : memref<640x128xf32, #tpu.memory_space<vmem>> -> memref<128x128xf32, #tpu.memory_space<vmem>>
    %dma_wait3A_145 = arith.constant 0 : i32
    %dma_wait3A_146 = tpu.memref_slice %arg4[%add3A_141, %dma_wait3A_145] : memref<819200x128xf32, #tpu.memory_space<hbm>> -> memref<128x128xf32, #tpu.memory_space<hbm>>
    %dma_wait3A_147 = arith.constant 0 : i32
    %dma_wait3A_148 = tpu.memref_slice %arg4[%add3A_141, %dma_wait3A_147] : memref<819200x128xf32, #tpu.memory_space<hbm>> -> memref<128x128xf32, #tpu.memory_space<hbm>>
    %dma_wait3A_149 = arith.constant 256 : i32
    %dma_wait3A_150 = arith.constant 0 : i32
    %dma_wait3A_151 = tpu.memref_slice %arg7[%dma_wait3A_149, %dma_wait3A_150] : memref<640x128xf32, #tpu.memory_space<vmem>> -> memref<128x128xf32, #tpu.memory_space<vmem>>
    tpu.wait_dma2 semaphore(%arg15 : memref<!tpu.dma_semaphore, #tpu.memory_space<semaphore_mem>>) src(%dma_wait3A_151 : memref<128x128xf32, #tpu.memory_space<vmem>>) dst(%dma_wait3A_148 : memref<128x128xf32, #tpu.memory_space<hbm>>)
    %add3A_152 = arith.constant 25344 : i32
    %add3A_153 = arith.addi %mul3A_6, %add3A_152 : i32
    %dma_wait3A_154 = arith.constant 384 : i32
    %dma_wait3A_155 = arith.constant 0 : i32
    %dma_wait3A_156 = tpu.memref_slice %arg7[%dma_wait3A_154, %dma_wait3A_155] : memref<640x128xf32, #tpu.memory_space<vmem>> -> memref<128x128xf32, #tpu.memory_space<vmem>>
    %dma_wait3A_157 = arith.constant 0 : i32
    %dma_wait3A_158 = tpu.memref_slice %arg4[%add3A_153, %dma_wait3A_157] : memref<819200x128xf32, #tpu.memory_space<hbm>> -> memref<128x128xf32, #tpu.memory_space<hbm>>
    %dma_wait3A_159 = arith.constant 0 : i32
    %dma_wait3A_160 = tpu.memref_slice %arg4[%add3A_153, %dma_wait3A_159] : memref<819200x128xf32, #tpu.memory_space<hbm>> -> memref<128x128xf32, #tpu.memory_space<hbm>>
    %dma_wait3A_161 = arith.constant 384 : i32
    %dma_wait3A_162 = arith.constant 0 : i32
    %dma_wait3A_163 = tpu.memref_slice %arg7[%dma_wait3A_161, %dma_wait3A_162] : memref<640x128xf32, #tpu.memory_space<vmem>> -> memref<128x128xf32, #tpu.memory_space<vmem>>
    tpu.wait_dma2 semaphore(%arg16 : memref<!tpu.dma_semaphore, #tpu.memory_space<semaphore_mem>>) src(%dma_wait3A_163 : memref<128x128xf32, #tpu.memory_space<vmem>>) dst(%dma_wait3A_160 : memref<128x128xf32, #tpu.memory_space<hbm>>)
    %add3A_164 = arith.constant 25472 : i32
    %add3A_165 = arith.addi %mul3A_6, %add3A_164 : i32
    %dma_wait3A_166 = arith.constant 512 : i32
    %dma_wait3A_167 = arith.constant 0 : i32
    %dma_wait3A_168 = tpu.memref_slice %arg7[%dma_wait3A_166, %dma_wait3A_167] : memref<640x128xf32, #tpu.memory_space<vmem>> -> memref<128x128xf32, #tpu.memory_space<vmem>>
    %dma_wait3A_169 = arith.constant 0 : i32
    %dma_wait3A_170 = tpu.memref_slice %arg4[%add3A_165, %dma_wait3A_169] : memref<819200x128xf32, #tpu.memory_space<hbm>> -> memref<128x128xf32, #tpu.memory_space<hbm>>
    %dma_wait3A_171 = arith.constant 0 : i32
    %dma_wait3A_172 = tpu.memref_slice %arg4[%add3A_165, %dma_wait3A_171] : memref<819200x128xf32, #tpu.memory_space<hbm>> -> memref<128x128xf32, #tpu.memory_space<hbm>>
    %dma_wait3A_173 = arith.constant 512 : i32
    %dma_wait3A_174 = arith.constant 0 : i32
    %dma_wait3A_175 = tpu.memref_slice %arg7[%dma_wait3A_173, %dma_wait3A_174] : memref<640x128xf32, #tpu.memory_space<vmem>> -> memref<128x128xf32, #tpu.memory_space<vmem>>
    tpu.wait_dma2 semaphore(%arg17 : memref<!tpu.dma_semaphore, #tpu.memory_space<semaphore_mem>>) src(%dma_wait3A_175 : memref<128x128xf32, #tpu.memory_space<vmem>>) dst(%dma_wait3A_172 : memref<128x128xf32, #tpu.memory_space<hbm>>)
    return
  }
}

</mosaic_0001>

<sc_bundles>
// kernel: kernel.3.cloned.1.call-start
scs
__scs_entry_jumppad:
0x0: {  	(pc) =	sbr.rel $0x88, $3  }
0x1: {  	(tag) =	ssettag $0x0;
	lr =	simm.s32 $0x1  }
0x2: {  	[smem:$0x3F9F] =	sst lr;
	_ =	strace $0xD0000000  }
0x3: {  	_ = 	snop  }
0x4: {  	_ = 	snop  }
0x5: {  	_ = 	snop  }
0x6: {  	_ = 	snop  }
0x7: {  	_ = 	snop  }
__scs_overlays_trampoline_lowered:
0x8: {  	[smem:$0x3FAE] =	sst s0  }
0x9: {  	[smem:$0x3FAF] =	sst s1  }
0xa: {  	[smem:$0x3FB0] =	sst s2  }
0xb: {  	[smem:$0x3FB1] =	sst s3  }
0xc: {  	[smem:$0x3FB2] =	sst s4  }
0xd: {  	[smem:$0x3FB3] =	sst s5  }
0xe: {  	[smem:$0x3FB4] =	sst s6  }
0xf: {  	[smem:$0x3FB5] =	sst s7  }
0x10: {  	[smem:$0x3FB6] =	sst s8  }
0x11: {  	[smem:$0x3FB7] =	sst s9;
	s0 =	simm.s32 @!p0 $0x0  }
0x12: {  	s1 =	sld [smem:$0x3F9D];
	s0 =	simm.s32 @p0 $0x1  }
0x13: {  	[smem:$0x3FB8] =	sst s0;
	s0 =	simm.s32 @!p1 $0x0  }
0x14: {  	s2 =	sld [smem:$0x3F9C];
	s0 =	simm.s32 @p1 $0x1  }
0x15: {  	[smem:$0x3FB9] =	sst s0;
	s0 =	simm.s32 @!p2 $0x0  }
0x16: {  	s3 =	sld [smem:$0x3FDB];
	s0 =	simm.s32 @p2 $0x1  }
0x17: {  	s4 =	simm.s32 $0x1BF5;
	[smem:$0x3FBB] =	sst s0  }
0x18: {  	s0 =	sld [smem:$0x3F9E];
	_ =	swait.ge [sflag:s4], $0x0  }
0x19: {  	s7 =	sld [smem:$0x3F9F]  }
0x1a: {  	s8 =	sadd.s32 $0xFFFFE003, lr  }
0x1b: {  	s9 =	sadd.s32 $0xFFFFFEF7, lr;
	s5 =	simm.s32 $0xFFFFFFFF;
	p2 =	slt.u32 s8, $0xFFFFF086  }
0x1c: {  	p1 =	slt.u32 s9, $0xF7A;
	s5 =	simm.s32 @!p2 $0x0  }
0x1d: {  	s5 =	simm.s32 @p1 $0x1;
	p0 =	seq.s32 s7, s2  }
0x1e: {  	s7 =	smul.u32 @!p0 $0xF7A, s2;
	p2 =	seq.s32 @!p0 s5, $0x0  }
0x1f: {  	s9 =	smul.u32 $0xF7A, s1;
	s8 =	simm.s32 @!p0 $0x1BF5;
	p2 =	por !p2, p0  }
0x20: {  	[sflag:s8] =	ssyncset.s32 @!p0 $0xFFFFF086;
	s6 =	sadd.s32 @!p0 s3, s7;
	s7 =	simm.s32 @!p0 $0x108  }
0x21: {  	s3 =	sadd.s32 s3, s9;
	s6 =	sadd.s32 @!p0 $0x88, s6;
	s7 =	simm.s32 @p2 $0x1082  }
0x22: {  	[simem:s7], [sflag:s8] =	dma.local @!p0 [hbm:s6], $0xF7A  }
0x23: {  	s9 =	sor.u32 $0xD0000000, s2;
	s6 =	simm.s32 $0x108;
	_ =	swait.ge @!p0 [sflag:s8], $0x0  }
0x24: {  	s3 =	sadd.s32 $0x88, s3;
	s6 =	simm.s32 @!p1 $0x1082;
	[sflag:s4] =	ssyncset.s32 $0xFFFFF086  }
0x25: {  	[simem:s6], [sflag:s4] =	dma.local [hbm:s3], $0xF7A  }
0x26: {  	[smem:$0x3F9F] =	sst s1;
	(tag) =	ssettag s2;
	_ =	strace s9  }
0x27: {  	s1 =	sld [smem:$0x3FAF]  }
0x28: {  	s2 =	sld [smem:$0x3FB0]  }
0x29: {  	s4 =	sld [smem:$0x3FB2]  }
0x2a: {  	p0 =	seq.s32 s5, $0x0;
	s5 =	sld [smem:$0x3FB3]  }
0x2b: {  	s6 =	sld [smem:$0x3FB4]  }
0x2c: {  	s7 =	sld [smem:$0x3FB5]  }
0x2d: {  	s3 =	simm.s32 $0x108;
	s8 =	sld [smem:$0x3FB6]  }
0x2e: {  	s3 =	simm.s32 @!p0 $0x1082;
	s9 =	sld [smem:$0x3FB7]  }
0x2f: {  	lr =	sadd.s32 s0, s3;
	s0 =	sld [smem:$0x3FAE]  }
0x30: {  	s3 =	sld [smem:$0x3FB1]  }
0x31: {  	[smem:$0x3FBA] =	sst s10  }
0x32: {  	s10 =	sld [smem:$0x3FB8];
	_ =	sdelay $0x3  }
0x33: {  	p0 =	seq.s32 s10, $0x1;
	s10 =	sld [smem:$0x3FBA];
	_ =	sdelay $0x3  }
0x34: {  	[smem:$0x3FBA] =	sst s10  }
0x35: {  	s10 =	sld [smem:$0x3FB9];
	_ =	sdelay $0x3  }
0x36: {  	p1 =	seq.s32 s10, $0x1;
	s10 =	sld [smem:$0x3FBA];
	_ =	sdelay $0x3  }
0x37: {  	[smem:$0x3FBA] =	sst s10  }
0x38: {  	s10 =	sld [smem:$0x3FBB]  }
0x39: {  	_ = 	snop;
	(pc) =	sbr.ind lr, $3  }
0x3a: {  	_ = 	snop  }
0x3b: {  	_ = 	snop  }
0x3c: {  	p2 =	seq.s32 s10, $0x1;
	s10 =	sld [smem:$0x3FBA]  }
0x3d: {  	_ =	shalt  }
0x3e: {  	_ =	shalt  }
0x3f: {  	_ =	shalt  }
0x40: {  	_ =	shalt  }
0x41: {  	_ =	shalt  }
0x42: {  	_ =	shalt  }
0x43: {  	_ =	shalt  }
0x44: {  	_ =	shalt  }
0x45: {  	_ =	shalt  }
0x46: {  	_ =	shalt  }
0x47: {  	_ =	shalt  }
0x48: {  	_ =	shalt  }
0x49: {  	_ =	shalt  }
0x4a: {  	_ =	shalt  }
0x4b: {  	_ =	shalt  }
0x4c: {  	_ =	shalt  }
0x4d: {  	_ =	shalt  }
0x4e: {  	_ =	shalt  }
0x4f: {  	_ =	shalt  }
0x50: {  	_ =	shalt  }
0x51: {  	_ =	shalt  }
0x52: {  	_ =	shalt  }
0x53: {  	_ =	shalt  }
0x54: {  	_ =	shalt  }
0x55: {  	_ =	shalt  }
0x56: {  	_ =	shalt  }
0x57: {  	_ =	shalt  }
0x58: {  	_ =	shalt  }
0x59: {  	_ =	shalt  }
0x5a: {  	_ =	shalt  }
0x5b: {  	_ =	shalt  }
0x5c: {  	_ =	shalt  }
0x5d: {  	_ =	shalt  }
0x5e: {  	_ =	shalt  }
0x5f: {  	_ =	shalt  }
0x60: {  	_ =	shalt  }
0x61: {  	_ =	shalt  }
0x62: {  	_ =	shalt  }
0x63: {  	_ =	shalt  }
0x64: {  	_ =	shalt  }
0x65: {  	_ =	shalt  }
0x66: {  	_ =	shalt  }
0x67: {  	_ =	shalt  }
0x68: {  	_ =	shalt  }
0x69: {  	_ =	shalt  }
0x6a: {  	_ =	shalt  }
0x6b: {  	_ =	shalt  }
0x6c: {  	_ =	shalt  }
0x6d: {  	_ =	shalt  }
0x6e: {  	_ =	shalt  }
0x6f: {  	_ =	shalt  }
0x70: {  	_ =	shalt  }
0x71: {  	_ =	shalt  }
0x72: {  	_ =	shalt  }
0x73: {  	_ =	shalt  }
0x74: {  	_ =	shalt  }
0x75: {  	_ =	shalt  }
0x76: {  	_ =	shalt  }
0x77: {  	_ =	shalt  }
0x78: {  	_ =	shalt  }
0x79: {  	_ =	shalt  }
0x7a: {  	_ =	shalt  }
0x7b: {  	_ =	shalt  }
0x7c: {  	_ =	shalt  }
0x7d: {  	_ =	shalt  }
0x7e: {  	_ =	shalt  }
0x7f: {  	_ =	shalt  }
0x80: {  	_ =	shalt  }
0x81: {  	_ =	shalt  }
0x82: {  	_ =	shalt  }
0x83: {  	_ =	shalt  }
0x84: {  	_ =	shalt  }
0x85: {  	_ =	shalt  }
0x86: {  	_ =	shalt  }
0x87: {  	_ =	shalt  }
.Lfunc_end0:
.L_simem_size_0:
called_computation_lowered:
.L_overlay_start_0:
0x88: {  	s2 =	sld [smem:$0x3FD9]  }
0x89: {  	s3 =	sld [smem:$0x3FFE];
	_ =	sdelay $0x1  }
0x8a: {  	s1 =	srdreg.scid  }
0x8b: {  	s0 =	sand.u32 $0x1, s1  }
0x8c: {  	s17 =	sshll.u32 s0, $0xA;
	s2 =	sadd.s32 s3, s2  }
0x8d: {  	s2 =	sadd.s32 s2, s17  }
0x8e: {  	[smem:$0x3FC6] =	sst s2  }
0x8f: {  	_ = 	snop  }
0x90: {  	s2 =	sld [smem:$0x3FC8]  }
0x91: {  	s18 =	sld [smem:$0x3FD0];
	(tm) =	ssettm $0x1  }
0x92: {  	s4 =	sld [smem:$0x3FFB];
	_ =	sdelay $0x3  }
0x93: {  	_ =	strace s4  }
0x94: {  	s4 =	sld [smem:$0x3FFC];
	_ =	sdelay $0x3  }
0x95: {  	_ =	strace s4  }
0x96: {  	s4 =	sld [smem:$0x3FFD];
	_ =	sdelay $0x3  }
0x97: {  	_ =	strace s4  }
0x98: {  	_ =	strace $0x8FFFFFFF  }
0x99: {  	s19 =	sld [smem:$0x3FDB];
	_ =	sdelay $0x1  }
0x9a: {  	s5 =	simm.s32 $_scs_section_size  }
0x9b: {  	s6 =	simm.s32 $_size__tile_overlayer_lowered;
	s7 =	simm.s32 $_tile_overlayer_lowered  }
0x9c: {  	s22 =	simm.s32 $0x1BFF;
	s21 =	sshll.u32 s7, $0x1;
	s4 =	sadd.s32 s5, s19  }
0x9d: {  	s8 =	simm.s32 $0x0;
	s20 =	sshll.u32 s6, $0x1;
	s6 =	sadd.s32 s21, s4  }
0x9e: {  	[timem:s8], [sflag:s22] =	dma.local [hbm:s6], s20  }
0x9f: {  	_ =	swait.ge [sflag:s22], s20  }
0xa0: {  	s5 =	ssub.s32 $0x0, s20;
	[sflag:s22] =	ssyncset.done $0x0  }
0xa1: {  	[sflag:s22] =	ssyncadd.s32 s5;
	_ =	sdelay $0x1  }
0xa2: {  	s23 =	simm.s32 $0x1B8B  }
0xa3: {  	_ =	swait.ge [sflag:s23], $0x1  }
0xa4: {  	[sflag:s23] =	ssyncset.done $0x0  }
0xa5: {  	s25 =	simm.s32 $0x1B8E;
	s24 =	sld [smem:$0x3FFE];
	[sflag:s23] =	ssyncadd.s32 $0xFFFFFFFF  }
0xa6: {  	s26 =	simm.s32 $execute0_lowered;
	[smem:$0x3FD2] =	sst s25  }
0xa7: {  	s6 =	sshll.u32 s26, $0x1;
	_ =	strace $0x80000046;
	[dreg:$0x1] =	wrdreg $0xFFFFFFFF  }
0xa8: {  	s28 =	simm.s32 $_size_execute0_lowered;
	s4 =	sadd.s32 s4, s6;
	[dreg:$0x0] =	wrdreg $0x0  }
0xa9: {  	s6 =	sshll.u32 s28, $0x1;
	[dreg:$0x2] =	wrdreg s4  }
0xaa: {  	[dreg:$0x3] =	wrdreg s6  }
0xab: {  	[dreg:$0x4] =	wrdreg $0xC0  }
0xac: {  	_ =	task [dreg:s8], $0x5FFFF  }
0xad: {  	[dreg:$0x1] =	wrdreg $0xFFFFFFFF  }
0xae: {  	[dreg:$0x0] =	wrdreg $0x60  }
0xaf: {  	[dreg:$0x2] =	wrdreg s24  }
0xb0: {  	[dreg:$0x3] =	wrdreg s2  }
0xb1: {  	[dreg:$0x4] =	wrdreg s18  }
0xb2: {  	[dreg:$0x5] =	wrdreg $0x0  }
0xb3: {  	[dreg:$0x6] =	wrdreg $0x9  }
0xb4: {  	_ =	task.clear_ibuf [dreg:s8], $0x7FFFF;
	_ =	strace $0x90000046  }
0xb5: {  	s29 =	simm.s32 $0x9;
	_ =	strace $0x80000048  }
0xb6: {  	_ =	swait.ge [sflag:s29], $0x1  }
0xb7: {  	[sflag:s29] =	ssyncadd.s32 $0xFFFFFFFF  }
0xb8: {  	_ =	strace $0x90000048  }
0xb9: {  	_ =	sfence  }
0xba: {  	s30 =	sld [smem:$0x0];
	_ =	sdelay $0x2  }
0xbb: {  	s31 =	sshll.u32 s1, $0xD;
	s1 =	sshrl.u32 s1, $0x2  }
0xbc: {  	s3 =	sand.u32 $0x4000, s31;
	s1 =	sadd.s32 s1, s30  }
0xbd: {  	s0 =	sor.u32 s3, s0;
	s1 =	sshll.u32 s1, $0x11  }
0xbe: {  	s0 =	sor.u32 s1, s0  }
0xbf: {  	s0 =	sadd.s32 $0x8F2B, s0  }
0xc0: {  	[sflag:s0] =	ssyncadd.remote.s32 $0x1  }
0xc1: {  	_ =	sfence.sel $0xFFFF  }
0xc2: {  	[dreg:$0x0] =	wrdreg $0xFFFFFFFF;
	(pc) =	sbr.abs _section_cstart, $3  }
0xc3: {  	[dreg:$0x1] =	wrdreg $0xFFFFFFFF  }
0xc4: {  	_ =	task.clear_ibuf [dreg:s8], $0x2FFFF;
	_ =	strace $0x9FFFFFFF  }
0xc5: {  	(tm) =	ssettm $0x7FFFFFFF  }
tec
execute0_lowered:
.L_overlay_start_1:
0x0: {  	(tag) =	ssettag $0x1  }
0x1: {  	s0 =	rddreg [dreg:$0x0]  }
0x2: {  	s1 =	rddreg [dreg:$0x2];
	s7 =	stileid.u32  }
0x3: {  	s2 =	srdreg.scid;
	s18 =	smul.u32 $0xC8000, s7  }
0x4: {  	s3 =	rddreg [dreg:$0x3];
	s4 =	simm.s32 $0x0;
	s20 =	smul.u32 $0x640000, s7  }
0x5: {  	s28 =	simm.s32 $0x4600;
	s2 =	sand.u32 $0x1, s2;
	s23 =	smul.u32 $0x1900, s7  }
0x6: {  	s29 =	simm.s32 $0xD;
	s30 =	simm.s32 $0x8600;
	s21 =	smul.u32 $0x320000, s2  }
0x7: {  	s31 =	simm.s32 $0x1;
	s5 =	sshll.u32 s7, $0x1;
	s22 =	smul.u32 $0x64000, s2  }
0x8: {  	s8 =	sor.u32 s2, s5;
	s15 =	ssub.s32 $0x2, s2;
	s2 =	smul.u32 $0xC80, s2  }
0x9: {  	[smem:$0x7FF] =	sst s4;
	p0 =	sne.s32 s7, $0x0;
	s9 =	smul.u32 $0xC80, s8  }
0xa: {  	s7 =	simm.s32 $0xA;
	_ =	strace $0x80000047;
	s6 =	smul.u32 $0x6400, s8  }
0xb: {  	s5 =	sadd.s32 $0x400, s0;
	s10 =	sshrl.u32 s15, $0x1;
	s8 =	smul.u32 $0x320000, s8  }
0xc: {  	s0 =	ssub.s32 s15, s10;
	s10 =	sadd.s32 s21, s20;
	s20 =	simm.s32 $0xC600  }
0xd: {  	s11 =	sadd.s32 s5, s9;
	s8 =	sshrl.u32 s8, $0x3;
	s12 =	sor.u32 $0x100, s6  }
0xe: {  	s24 =	sor.u32 $0x4000, s10;
	s0 =	smax.u32 s0, $0x1;
	[dreg:$0x5] =	wrdreg s11  }
0xf: {  	s10 =	simm.s32 $0x10600;
	s9 =	sadd.s32 $0x10, s11;
	[dreg:$0xc] =	wrdreg s0  }
0x10: {  	s16 =	sadd.s32 $0x20, s11;
	s17 =	sadd.s32 $0x30, s11;
	[dreg:$0x6] =	wrdreg s9  }
0x11: {  	s19 =	sadd.s32 $0x40, s11;
	s8 =	sadd.s32 s1, s8;
	[dreg:$0x7] =	wrdreg s16  }
0x12: {  	s26 =	sshrl.u32 s24, $0x3;
	s24 =	simm.s32 $0x400;
	[dreg:$0x8] =	wrdreg s17  }
0x13: {  	s11 =	simm.s32 $0x3;
	[dreg:$0x9] =	wrdreg s19;
	s13 =	sadd.s32 $0x63000, s8  }
0x14: {  	s8 =	sadd.s32 $0x63800, s8;
	s9 =	sadd.s32 s18, s1;
	s17 =	sadd.s32 s2, s23  }
0x15: {  	s0 =	sadd.s32 s26, s1;
	s26 =	simm.s32 $0x80;
	[dreg:$0xa] =	wrdreg s13  }
.Ltmp0:
0x16: {  	s18 =	simm.s32 $0x9;
	[dreg:$0xb] =	wrdreg s8;
	(pc) =	sbr.rel .LBB2_1-.Ltmp0, $4  }
0x17: {  	s8 =	sadd.s32 s22, s9;
	[dreg:$0xe] =	wrdreg s0;
	s0 =	sshrl.u32 @!p0 s3, $0x3  }
0x18: {  	s22 =	simm.s32 $0x300;
	s9 =	simm.s32 $0xF;
	s13 =	simm.s32 $0x0  }
0x19: {  	s25 =	sadd.s32 $0xFFFFF800, s8;
	[dreg:$0xf] =	wrdreg s0;
	s0 =	simm.s32 $0xE  }
0x1a: {  	s8 =	simm.s32 $0x2;
	[dreg:$0xd] =	wrdreg s25;
	s25 =	simm.s32 $0xC  }
.LBB2_4:
0x1b: {  	s2 =	simm.s32 $0x4  }
0x1c: {  	_ =	swait.ge [sflag:s2], $0x4000  }
0x1d: {  	[sflag:s2] =	ssyncset.done $0x0  }
0x1e: {  	s14 =	simm.s32 $0x5;
	s13 =	rddreg [dreg:$0xa];
	[sflag:s2] =	ssyncadd.s32 $0xFFFFC000  }
0x1f: {  	[hbm4b:s13+s4] =	stream.linear.scatter [tilespmem:s20], [sflag:$0x9], $0x4000, $0x38;
	[tilespmem:$0x14600] =	vst v63  }
0x20: {  	_ =	swait.ge [sflag:s14], $0x4000  }
0x21: {  	[sflag:s14] =	ssyncset.done $0x0  }
0x22: {  	s16 =	simm.s32 $0x6;
	s15 =	rddreg [dreg:$0xb];
	[sflag:s14] =	ssyncadd.s32 $0xFFFFC000  }
0x23: {  	[hbm4b:s15+s4] =	stream.linear.scatter [tilespmem:s10], [sflag:$0xA], $0x4000, $0x38;
	[tilespmem:$0x14600] =	vst v63  }
0x24: {  	_ =	swait.ge [sflag:s16], $0x4000  }
0x25: {  	[sflag:s16] =	ssyncset.done $0x0  }
0x26: {  	s19 =	simm.s32 $0x7;
	[sflag:s16] =	ssyncadd.s32 $0xFFFFC000  }
0x27: {  	_ =	swait.ge [sflag:s19], $0x4000  }
0x28: {  	[sflag:s19] =	ssyncset.done $0x0  }
0x29: {  	s21 =	simm.s32 $0x8;
	[sflag:s19] =	ssyncadd.s32 $0xFFFFC000  }
0x2a: {  	_ =	swait.ge [sflag:s21], $0x4000  }
0x2b: {  	[sflag:s21] =	ssyncset.done $0x0  }
0x2c: {  	[sflag:s21] =	ssyncadd.s32 $0xFFFFC000  }
0x2d: {  	_ =	swait.ge [sflag:s18], $0x4000  }
0x2e: {  	[sflag:s18] =	ssyncset.done $0x0  }
0x2f: {  	[sflag:s18] =	ssyncadd.s32 $0xFFFFC000  }
0x30: {  	_ =	swait.ge [sflag:s7], $0x4000  }
0x31: {  	s13 =	rddreg [dreg:$0x10]  }
0x32: {  	s23 =	rddreg [dreg:$0xc];
	s13 =	sadd.s32 $0x1, s13  }
0x33: {  	p1 =	sne.s32 s13, s23  }
.Ltmp1:
0x34: {  	_ = 	snop;
	(pc) =	sbr.rel @!p1 .LBB2_5-.Ltmp1, $3  }
0x35: {  	_ =	sdelay $0x1  }
0x36: {  	[sflag:s7] =	ssyncset.done $0x0  }
0x37: {  	[sflag:s7] =	ssyncadd.s32 $0xFFFFC000  }
.LBB2_1:
0x38: {  	[dreg:$0x10] =	wrdreg s13  }
0x39: {  	s2 =	rddreg [dreg:$0x1]  }
0x3a: {  	s13 =	simm.s32 @!p0 $0x1C10;
	s14 =	rddreg [dreg:$0xf]  }
0x3b: {  	[spmem:s14], [sflag:s13] =	dma.local @!p0 [hbm:s2], $0x400  }
0x3c: {  	s13 =	simm.s32 @!p0 $0x10  }
0x3d: {  	_ =	swait.ge @!p0 [sflag:s13], $0x400  }
0x3e: {  	[sflag:s13] =	ssyncset.done @!p0 $0x0  }
0x3f: {  	[sflag:s13] =	ssyncadd.s32 @!p0 $0xFFFFFC00  }
0x40: {  	[bflag:$0x0] =	sbarrier.arrive $0xFFFF  }
0x41: {  	s21 =	rddreg [dreg:$0x5]  }
0x42: {  	s14 =	rddreg [dreg:$0x6]  }
0x43: {  	s23 =	simm.s32 $0x200;
	s16 =	rddreg [dreg:$0x7]  }
0x44: {  	[tilespmem:s23], [sflag:$0xB] =	stream.linear.gather [hbm4b:s21+s4], $0x80, $0x38;
	[tilespmem:$0x14600] =	vst v63  }
0x45: {  	s15 =	simm.s32 $0x280;
	s19 =	rddreg [dreg:$0x8]  }
0x46: {  	[tilespmem:s15], [sflag:$0xC] =	stream.linear.gather [hbm4b:s14+s4], $0x80, $0x38;
	[tilespmem:$0x14600] =	vst v63  }
0x47: {  	s23 =	rddreg [dreg:$0x9]  }
0x48: {  	[tilespmem:s22], [sflag:$0xD] =	stream.linear.gather [hbm4b:s16+s4], $0x80, $0x38;
	[tilespmem:$0x14600] =	vst v63  }
0x49: {  	s21 =	simm.s32 $0x380;
	s15 =	rddreg [dreg:$0xe]  }
0x4a: {  	[tilespmem:s21], [sflag:$0xE] =	stream.linear.gather [hbm4b:s19+s4], $0x80, $0x38;
	[tilespmem:$0x14600] =	vst v63  }
0x4b: {  	s13 =	simm.s32 $0x0;
	s14 =	simm.s32 $0x70;
	s16 =	rddreg [dreg:$0xd]  }
0x4c: {  	[tilespmem:s24], [sflag:$0xF] =	stream.linear.gather [hbm4b:s23+s4], $0x80, $0x38;
	[tilespmem:$0x14600] =	vst v63  }
.LBB2_2:
0x4d: {  	p1 =	seq.s32 s14, $0x70  }
0x4e: {  	s19 =	simm.s32 @p1 $0xB  }
0x4f: {  	_ =	swait.ge @p1 [sflag:s19], $0x80  }
0x50: {  	s21 =	simm.s32 @p1 $0x200;
	[sflag:s19] =	ssyncset.done @p1 $0x0  }
0x51: {  	s23 =	simm.s32 @p1 $0x600;
	[sflag:s19] =	ssyncadd.s32 @p1 $0xFFFFFF80;
	s19 =	simm.s32 @p1 $0x80  }
0x52: {  	[tilespmem:s23], [sflag:$0x1] =	stream.indirect.gather @p1 [spmem:s3], $0x80, s21, s19, $0xb8;
	[tilespmem:$0x14600] =	vst v63  }
0x53: {  	s19 =	simm.s32 @!p1 $0x6  }
0x54: {  	_ =	swait.ge @!p1 [sflag:s19], $0x4000  }
0x55: {  	[sflag:s19] =	ssyncset.done @!p1 $0x0  }
0x56: {  	[sflag:s19] =	ssyncadd.s32 @!p1 $0xFFFFC000;
	s19 =	simm.s32 @!p1 $0xB  }
0x57: {  	_ =	swait.ge @!p1 [sflag:s19], $0x80  }
0x58: {  	s21 =	simm.s32 @!p1 $0x200;
	[sflag:s19] =	ssyncset.done @!p1 $0x0  }
0x59: {  	s23 =	simm.s32 @!p1 $0x600;
	[sflag:s19] =	ssyncadd.s32 @!p1 $0xFFFFFF80;
	s19 =	simm.s32 @!p1 $0x80  }
0x5a: {  	[tilespmem:s23], [sflag:$0x1] =	stream.indirect.gather @!p1 [spmem:s3], $0x80, s21, s19, $0xb8;
	[tilespmem:$0x14600] =	vst v63  }
0x5b: {  	s19 =	simm.s32 @!p1 $0x4  }
0x5c: {  	_ =	swait.ge @!p1 [sflag:s19], $0x4000  }
0x5d: {  	s21 =	simm.s32 @!p1 $0x0;
	[sflag:s19] =	ssyncset.done @!p1 $0x0  }
0x5e: {  	s23 =	simm.s32 @!p1 $0xC600;
	[sflag:s19] =	ssyncadd.s32 @!p1 $0xFFFFC000;
	s19 =	sadd.s32 @!p1 $0xFFFFF800, s16  }
0x5f: {  	[hbm4b:s19+s21] =	stream.linear.scatter @!p1 [tilespmem:s23], [sflag:$0x9], $0x4000, $0x38;
	[tilespmem:$0x14600] =	vst v63  }
0x60: {  	s19 =	sadd.s32 @!p1 $0xFFFFFFC0, s14  }
0x61: {  	s23 =	sadd.s32 @!p1 s17, s19;
	s19 =	sand.u32 @!p1 $0x70, s19  }
0x62: {  	s23 =	sand.u32 @!p1 $0xFFFFF80, s23;
	s19 =	sadd.s32 @!p1 s5, s19  }
0x63: {  	s19 =	sadd.s32 @!p1 s23, s19;
	s23 =	simm.s32 @!p1 $0x380  }
0x64: {  	[tilespmem:s23], [sflag:$0xE] =	stream.linear.gather @!p1 [hbm4b:s19+s21], $0x80, $0x38;
	[tilespmem:$0x14600] =	vst v63  }
0x65: {  	s19 =	simm.s32 @!p1 $0x7  }
0x66: {  	_ =	swait.ge @!p1 [sflag:s19], $0x4000  }
0x67: {  	[sflag:s19] =	ssyncset.done @!p1 $0x0  }
0x68: {  	[sflag:s19] =	ssyncadd.s32 @!p1 $0xFFFFC000  }
0x69: {  	_ =	swait.ge [sflag:s25], $0x80  }
0x6a: {  	[sflag:s25] =	ssyncset.done $0x0  }
0x6b: {  	s2 =	simm.s32 $0x280;
	s19 =	simm.s32 @!p1 $0x5;
	[sflag:s25] =	ssyncadd.s32 $0xFFFFFF80  }
0x6c: {  	[tilespmem:s28], [sflag:$0x2] =	stream.indirect.gather [spmem:s3], $0x80, s2, s26, $0xb8;
	[tilespmem:$0x14600] =	vst v63  }
0x6d: {  	_ =	swait.ge @!p1 [sflag:s19], $0x4000  }
0x6e: {  	[sflag:s19] =	ssyncset.done @!p1 $0x0  }
0x6f: {  	[sflag:s19] =	ssyncadd.s32 @!p1 $0xFFFFC000;
	s19 =	simm.s32 @!p1 $0x10600  }
0x70: {  	[hbm4b:s16+s21] =	stream.linear.scatter @!p1 [tilespmem:s19], [sflag:$0xA], $0x4000, $0x38;
	[tilespmem:$0x14600] =	vst v63  }
0x71: {  	s19 =	sadd.s32 @!p1 $0xFFFFFFD0, s14  }
0x72: {  	s23 =	sadd.s32 @!p1 s17, s19;
	s19 =	sand.u32 @!p1 $0x70, s19  }
0x73: {  	s23 =	sand.u32 @!p1 $0xFFFFF80, s23;
	s19 =	sadd.s32 @!p1 s5, s19  }
0x74: {  	s19 =	sadd.s32 @!p1 s23, s19;
	s23 =	simm.s32 @!p1 $0x400  }
0x75: {  	[tilespmem:s23], [sflag:$0xF] =	stream.linear.gather @!p1 [hbm4b:s19+s21], $0x80, $0x38;
	[tilespmem:$0x14600] =	vst v63  }
0x76: {  	s19 =	simm.s32 @!p1 $0x8  }
0x77: {  	_ =	swait.ge @!p1 [sflag:s19], $0x4000  }
0x78: {  	[sflag:s19] =	ssyncset.done @!p1 $0x0  }
0x79: {  	[sflag:s19] =	ssyncadd.s32 @!p1 $0xFFFFC000  }
0x7a: {  	_ =	swait.ge [sflag:s29], $0x80  }
0x7b: {  	s19 =	smov.u32 s13;
	[sflag:s29] =	ssyncset.done $0x0  }
0x7c: {  	s19 =	simm.s32 @p1 $0x0;
	[sflag:s29] =	ssyncadd.s32 $0xFFFFFF80  }
0x7d: {  	[tilespmem:s30], [sflag:$0x3] =	stream.indirect.gather [spmem:s3], $0x80, s22, s26, $0xb8;
	[tilespmem:$0x14600] =	vst v63  }
0x7e: {  	s2 =	sadd.s32 s6, s19;
	_ =	swait.ge [sflag:s31], $0x4000  }
0x7f: {  	s23 =	simm.s32 $0x600;
	s21 =	sshll.u32 s2, $0x4;
	[sflag:s31] =	ssyncset.done $0x0  }
0x80: {  	p1 =	seq.s32 s14, $0xCA0;
	s21 =	sadd.s32 s1, s21;
	[sflag:s31] =	ssyncadd.s32 $0xFFFFC000  }
0x81: {  	[hbm4b:s21+s4] =	stream.linear.scatter [tilespmem:s23], [sflag:$0x6], $0x4000, $0x38;
	[tilespmem:$0x14600] =	vst v63  }
0x82: {  	s21 =	sadd.s32 @!p1 $0xFFFFFFE0, s14  }
0x83: {  	p2 =	seq.s32 @!p1 s14, $0x70;
	s23 =	sadd.s32 @!p1 s17, s21;
	s21 =	sand.u32 @!p1 $0x70, s21  }
0x84: {  	s2 =	simm.s32 @!p1 $0x200;
	s23 =	sand.u32 @!p1 $0xFFFFF80, s23;
	s21 =	sadd.s32 @!p1 s5, s21  }
0x85: {  	p2 =	por p1, !p2;
	s23 =	sadd.s32 @!p1 s23, s21;
	s21 =	simm.s32 @!p1 $0x0  }
0x86: {  	[tilespmem:s2], [sflag:$0xB] =	stream.linear.gather @!p1 [hbm4b:s23+s21], $0x80, $0x38;
	[tilespmem:$0x14600] =	vst v63  }
0x87: {  	_ =	swait.ge @p2 [sflag:s18], $0x4000  }
0x88: {  	[sflag:s18] =	ssyncset.done @p2 $0x0  }
0x89: {  	[sflag:s18] =	ssyncadd.s32 @p2 $0xFFFFC000  }
0x8a: {  	_ =	swait.ge [sflag:s0], $0x80  }
0x8b: {  	[sflag:s0] =	ssyncset.done $0x0  }
0x8c: {  	s23 =	simm.s32 $0x380;
	[sflag:s0] =	ssyncadd.s32 $0xFFFFFF80  }
0x8d: {  	[tilespmem:s20], [sflag:$0x4] =	stream.indirect.gather [spmem:s3], $0x80, s23, s26, $0xb8;
	[tilespmem:$0x14600] =	vst v63  }
0x8e: {  	s2 =	sadd.s32 @!p1 $0xFFFFFFF0, s14;
	_ =	swait.ge [sflag:s8], $0x4000  }
0x8f: {  	s23 =	sadd.s32 @!p1 s17, s2;
	s2 =	sand.u32 @!p1 $0x70, s2;
	[sflag:s8] =	ssyncset.done $0x0  }
0x90: {  	s23 =	sand.u32 @!p1 $0xFFFFF80, s23;
	s2 =	sadd.s32 @!p1 s5, s2;
	[sflag:s8] =	ssyncadd.s32 $0xFFFFC000  }
0x91: {  	[hbm4b:s15+s4] =	stream.linear.scatter [tilespmem:s28], [sflag:$0x7], $0x4000, $0x38;
	[tilespmem:$0x14600] =	vst v63  }
0x92: {  	s2 =	sadd.s32 @!p1 s23, s2;
	s23 =	simm.s32 @!p1 $0x280  }
0x93: {  	[tilespmem:s23], [sflag:$0xC] =	stream.linear.gather @!p1 [hbm4b:s2+s21], $0x80, $0x38;
	[tilespmem:$0x14600] =	vst v63  }
0x94: {  	_ =	swait.ge @p2 [sflag:s7], $0x4000  }
0x95: {  	[sflag:s7] =	ssyncset.done @p2 $0x0  }
0x96: {  	[sflag:s7] =	ssyncadd.s32 @p2 $0xFFFFC000  }
0x97: {  	_ =	swait.ge [sflag:s9], $0x80  }
0x98: {  	[sflag:s9] =	ssyncset.done $0x0  }
0x99: {  	[sflag:s9] =	ssyncadd.s32 $0xFFFFFF80  }
0x9a: {  	[tilespmem:s10], [sflag:$0x5] =	stream.indirect.gather [spmem:s3], $0x80, s24, s26, $0xb8;
	[tilespmem:$0x14600] =	vst v63  }
.Ltmp2:
0x9b: {  	_ = 	snop;
	(pc) =	sbr.rel @p1 .LBB2_4-.Ltmp2, $4  }
0x9c: {  	s23 =	sadd.s32 s19, s12;
	_ =	swait.ge [sflag:s11], $0x4000  }
0x9d: {  	s2 =	sshll.u32 s23, $0x4;
	[sflag:s11] =	ssyncset.done $0x0  }
0x9e: {  	s2 =	sadd.s32 s1, s2;
	[sflag:s11] =	ssyncadd.s32 $0xFFFFC000  }
0x9f: {  	[hbm4b:s2+s4] =	stream.linear.scatter [tilespmem:s30], [sflag:$0x8], $0x4000, $0x38;
	[tilespmem:$0x14600] =	vst v63  }
.Ltmp3:
0xa0: {  	(pc) =	sbr.rel .LBB2_2-.Ltmp3, $4  }
0xa1: {  	s2 =	sadd.s32 s14, s17;
	s19 =	sand.u32 $0x70, s14;
	s13 =	sadd.s32 $0x280, s13  }
0xa2: {  	s16 =	sadd.s32 $0x2800, s16;
	s2 =	sand.u32 $0xFFFFF80, s2;
	s19 =	sadd.s32 s5, s19  }
0xa3: {  	s14 =	sadd.s32 $0x50, s14;
	s15 =	sadd.s32 $0x2800, s15;
	s2 =	sadd.s32 s2, s19  }
0xa4: {  	[tilespmem:s22], [sflag:$0xD] =	stream.linear.gather [hbm4b:s2+s4], $0x80, $0x38;
	[tilespmem:$0x14600] =	vst v63  }
.LBB2_5:
0xa5: {  	_ =	sfence.sel $0x180000  }
0xa6: {  	[bflag:$0x0] =	sbarrier.arrive $0xFFFF  }
0xa7: {  	_ =	strace $0x90000047  }
0xa8: {  	[bflag:$0x2] =	sbarrier.arrive $0xFFFF  }
0xa9: {  	s0 =	rddreg [dreg:$0x4]  }
0xaa: {  	s0 =	sadd.s32 @!p0 $0x100000, s0  }
0xab: {  	[sflag:s0] =	ssyncadd.tile.s32 @!p0 $0x1;
	_ =	shalt  }
.Lfunc_end2:
_tile_overlayer_lowered:
.L_overlay_start_2:
0xac: {  	(tag) =	ssettag $0x2  }
0xad: {  	s0 =	rddreg [dreg:$0x0];
	s2 =	stileid.u32  }
0xae: {  	s1 =	rddreg [dreg:$0x1];
	p0 =	sne.s32 s2, $0x0  }
0xaf: {  	s3 =	rddreg [dreg:$0x2];
	[bflag:$0x3] =	sbarrier.arrive $0xFFFF;
	s2 =	simm.s32 @!p0 $0x1C10  }
0xb0: {  	[timem:s3], [sflag:s2] =	dma.local @!p0 [hbm:s0], s1  }
0xb1: {  	s0 =	simm.s32 @!p0 $0x10  }
0xb2: {  	_ =	swait.ge @!p0 [sflag:s0], s1  }
0xb3: {  	s1 =	ssub.s32 @!p0 $0x0, s1;
	[sflag:s0] =	ssyncset.done @!p0 $0x0  }
0xb4: {  	[sflag:s0] =	ssyncadd.s32 @!p0 s1  }
0xb5: {  	[bflag:$0x3] =	sbarrier.arrive $0xFFFF  }
0xb6: {  	_ =	shalt  }

</sc_bundles>
